<compile_context>
chip_gen: v7x
topology: tpu7x:2x2x1
jax: 0.10.2.dev20260603
libtpu: 0.0.44.dev20260713+nightly
codegen_flags: <defaults>
</compile_context>

<pallas_src>
import functools

import jax
import jax.numpy as jnp
from jax import lax
from jax.experimental import pallas as pl
from jax.experimental.pallas import tpu as pltpu
from jax.experimental.pallas import tpu_sc as plsc

DIM = 64
VOCAB = 100000
BATCH = 16384
NC = 2
NS = 16
L = 16
NW = NC * NS
BPW = BATCH // NW
CHUNK = 128
NCHUNK = BPW // CHUNK
WIDE = 2 * DIM
NH = DIM // L

HALF = 50048
TW = 2944
_GRID = HALF // TW


def _transpose_body(wlo_ref, whi_ref, vlo_ref, vhi_ref, wi2_ref, wj2_ref):
    wi2_ref[...] = jnp.concatenate(
        [wlo_ref[...].T, whi_ref[...].T], axis=1)
    wj2_ref[...] = jnp.concatenate(
        [vlo_ref[...].T, vhi_ref[...].T], axis=1)


def _relayout(wit, wjt):
    return pl.pallas_call(
        _transpose_body,
        grid=(_GRID,),
        in_specs=[
            pl.BlockSpec((DIM, TW), lambda g: (0, g)),
            pl.BlockSpec((DIM, TW), lambda g: (0, g + _GRID)),
            pl.BlockSpec((DIM, TW), lambda g: (0, g)),
            pl.BlockSpec((DIM, TW), lambda g: (0, g + _GRID)),
        ],
        out_specs=[
            pl.BlockSpec((TW, WIDE), lambda g: (g, 0)),
            pl.BlockSpec((TW, WIDE), lambda g: (g, 0)),
        ],
        out_shape=[
            jax.ShapeDtypeStruct((HALF, WIDE), jnp.float32),
            jax.ShapeDtypeStruct((HALF, WIDE), jnp.float32),
        ],
    )(wit, whi := wit, wjt, wjt)


_mesh = plsc.VectorSubcoreMesh(core_axis_name="c", subcore_axis_name="s")


@functools.partial(
    pl.kernel,
    out_type=jax.ShapeDtypeStruct((BATCH,), jnp.float32),
    mesh=_mesh,
    compiler_params=pltpu.CompilerParams(
        needs_layout_passes=False, use_tc_tiling_on_sc=True),
    scratch_types=[
        pltpu.VMEM((BPW,), jnp.int32),
        pltpu.VMEM((BPW,), jnp.int32),
        pltpu.VMEM((BPW,), jnp.int32),
        pltpu.VMEM((BPW,), jnp.int32),
        pltpu.VMEM((BPW,), jnp.int32),
        pltpu.VMEM((CHUNK, WIDE), jnp.float32),
        pltpu.VMEM((CHUNK, WIDE), jnp.float32),
        pltpu.VMEM((CHUNK, WIDE), jnp.float32),
        pltpu.VMEM((CHUNK, WIDE), jnp.float32),
        pltpu.VMEM((BPW,), jnp.float32),
        pltpu.VMEM((BPW,), jnp.float32),
        pltpu.VMEM((4 * CHUNK * L,), jnp.float32),
        pltpu.VMEM((BPW,), jnp.float32),
        pltpu.SemaphoreType.DMA,
        pltpu.SemaphoreType.DMA,
        pltpu.SemaphoreType.DMA,
    ],
)
def _glove_sc(i_idx, j_idx, wi2, wj2, bi_flat, bj_flat, out_hbm,
              idx_i, idx_j, ihalf, jhalf, sel, ri0, ri1, rj0, rj1,
              bias_i, bias_j, pbuf, out_v,
              sem0, sem1, sem_b):
    ri = (ri0, ri1)
    rj = (rj0, rj1)
    sems = (sem0, sem1)
    wid = lax.axis_index("s") * NC + lax.axis_index("c")
    base = wid * BPW

    pltpu.sync_copy(i_idx.at[pl.ds(base, BPW)], idx_i)
    pltpu.sync_copy(j_idx.at[pl.ds(base, BPW)], idx_j)

    bias_h = [
        pltpu.async_copy(bi_flat.at[idx_i], bias_i, sem_b),
        pltpu.async_copy(bj_flat.at[idx_j], bias_j, sem_b),
    ]

    def split_body(t, carry):
        o = pl.ds(pl.multiple_of(t * L, L), L)
        ii = idx_i[o]
        jj = idx_j[o]
        hi_i = jnp.where(ii >= HALF, 1, 0)
        hi_j = jnp.where(jj >= HALF, 1, 0)
        ihalf[o] = ii - hi_i * HALF
        jhalf[o] = jj - hi_j * HALF
        sel[o] = hi_i * 2 + hi_j
        return carry

    lax.fori_loop(0, BPW // L, split_body, 0)
    for h in bias_h:
        h.wait()

    iota = lax.iota(jnp.int32, L)

    def fire(c):
        b = c % 2
        rows = pl.ds(c * CHUNK, CHUNK)
        return (pltpu.async_copy(wi2.at[ihalf.at[rows]], ri[b], sems[b]),
                pltpu.async_copy(wj2.at[jhalf.at[rows]], rj[b], sems[b]))

    inflight = {0: fire(0), 1: fire(1)}

    for c in range(NCHUNK):
        b = c % 2
        rows_i = ri[b]
        rows_j = rj[b]
        for h in inflight.pop(c):
            h.wait()

        def body1(t, carry1):
            av = [rows_i[t, pl.ds(k * L, L)] for k in range(WIDE // L)]
            bv = [rows_j[t, pl.ds(k * L, L)] for k in range(WIDE // L)]
            m00 = av[0] * bv[0]
            m01 = av[0] * bv[NH]
            m10 = av[NH] * bv[0]
            m11 = av[NH] * bv[NH]
            for k in range(1, NH):
                m00 += av[k] * bv[k]
                m01 += av[k] * bv[NH + k]
                m10 += av[NH + k] * bv[k]
                m11 += av[NH + k] * bv[NH + k]
            tl = pl.multiple_of(t * L, L)
            pbuf[pl.ds(tl, L)] = m00
            pbuf[pl.ds(tl + CHUNK * L, L)] = m01
            pbuf[pl.ds(tl + 2 * CHUNK * L, L)] = m10
            pbuf[pl.ds(tl + 3 * CHUNK * L, L)] = m11
            return carry1

        lax.fori_loop(0, CHUNK, body1, 0)

        def body2(g, carry2):
            o = pl.ds(c * CHUNK + g * L, L)
            sv = sel[o]
            flat = sv * (CHUNK * L) + g * (L * L) + iota * L
            res = plsc.load_gather(pbuf, [flat])
            for k in range(1, L):
                res += plsc.load_gather(pbuf, [flat + k])
            out_v[o] = res + bias_i[o] + bias_j[o]
            return carry2

        lax.fori_loop(0, CHUNK // L, body2, 0)
        if c + 2 < NCHUNK:
            inflight[c + 2] = fire(c + 2)

    pltpu.sync_copy(out_v, out_hbm.at[pl.ds(base, BPW)])


def kernel(i_idx, j_idx, wi, wj, bi, bj):
    wi2, wj2 = _relayout(wi.T, wj.T)
    return _glove_sc(i_idx.astype(jnp.int32), j_idx.astype(jnp.int32),
                     wi2, wj2, bi.T.reshape(-1), bj.T.reshape(-1))

# --- scband reference (transcript-rebuilt; emitter-appended) ---
"""Pipeline reference for scband-glo-ve-21165598834988 (READ-ONLY COPY).

The authoritative reference and input builder live on the scoring server;
editing this copy changes nothing except your own understanding.
"""

import jax, jax.numpy as jnp
import numpy as np

VOCAB = 100000
DIM = 64
BATCH = 16384

def _xavier(key, shape):
    fan_in, fan_out = shape[1], shape[0]
    limit = float(np.sqrt(6.0 / (fan_in + fan_out)))
    return jax.random.uniform(key, shape, dtype=jnp.float32, minval=-limit, maxval=limit)

def setup_inputs(seed: int = 0) -> dict:
    key = jax.random.key(seed)
    k1, k2, k3, k4 = jax.random.split(key, 4)
    i_idx = jax.random.randint(k1, (BATCH,), 0, VOCAB, dtype=jnp.int64 if jax.config.jax_enable_x64 else jnp.int32)
    j_idx = jax.random.randint(k2, (BATCH,), 0, VOCAB, dtype=jnp.int64 if jax.config.jax_enable_x64 else jnp.int32)
    wi = _xavier(k3, (VOCAB, DIM))
    wj = _xavier(k4, (VOCAB, DIM))
    bi = jnp.zeros((VOCAB, 1), dtype=jnp.float32)
    bj = jnp.zeros((VOCAB, 1), dtype=jnp.float32)
    return {"i_idx": i_idx, "j_idx": j_idx, "wi": wi, "wj": wj, "bi": bi, "bj": bj}

def reference(i_idx, j_idx, wi, wj, bi, bj):
    wi_e = jnp.take(wi, i_idx, axis=0)
    wj_e = jnp.take(wj, j_idx, axis=0)
    bi_e = jnp.take(bi, i_idx, axis=0).squeeze(-1)
    bj_e = jnp.take(bj, j_idx, axis=0).squeeze(-1)
    return (wi_e * wj_e).sum(1) + bi_e + bj_e

if __name__ == "__main__":
    import jax
    _d = setup_inputs()
    print(jax.jit(kernel)(*tuple(_d.values())))

</pallas_src>

<mosaic_0001>
#map = affine_map<(d0, d1) -> (0)>
#map1 = affine_map<(d0, d1) -> (0, 0)>
module attributes {stable_mosaic.version = 14 : i64} {
  func.func @_glove_sc(%arg0: i32, %arg1: i32, %arg2: memref<16384xi32, #tpu.memory_space<hbm>>, %arg3: memref<16384xi32, #tpu.memory_space<hbm>>, %arg4: memref<50048x128xf32, #tpu.memory_space<hbm>>, %arg5: memref<50048x128xf32, #tpu.memory_space<hbm>>, %arg6: memref<100000xf32, #tpu.memory_space<hbm>>, %arg7: memref<100000xf32, #tpu.memory_space<hbm>>, %arg8: memref<16384xf32, #tpu.memory_space<hbm>>, %arg9: memref<512xi32, #tpu.memory_space<vmem>>, %arg10: memref<512xi32, #tpu.memory_space<vmem>>, %arg11: memref<512xi32, #tpu.memory_space<vmem>>, %arg12: memref<512xi32, #tpu.memory_space<vmem>>, %arg13: memref<512xi32, #tpu.memory_space<vmem>>, %arg14: memref<128x128xf32, #tpu.memory_space<vmem>>, %arg15: memref<128x128xf32, #tpu.memory_space<vmem>>, %arg16: memref<128x128xf32, #tpu.memory_space<vmem>>, %arg17: memref<128x128xf32, #tpu.memory_space<vmem>>, %arg18: memref<512xf32, #tpu.memory_space<vmem>>, %arg19: memref<512xf32, #tpu.memory_space<vmem>>, %arg20: memref<8192xf32, #tpu.memory_space<vmem>>, %arg21: memref<512xf32, #tpu.memory_space<vmem>>, %arg22: memref<!tpu.dma_semaphore, #tpu.memory_space<semaphore_mem>>, %arg23: memref<!tpu.dma_semaphore, #tpu.memory_space<semaphore_mem>>, %arg24: memref<!tpu.dma_semaphore, #tpu.memory_space<semaphore_mem>>) attributes {dimension_semantics = [#tpu.dimension_semantics<core_parallel>, #tpu.dimension_semantics<subcore_parallel>], iteration_bounds = array<i64: 2, 16>, scalar_prefetch = 0 : i64, scratch_operands = 16 : i64, tpu.core_type = #tpu.core_type<sc_vector_subcore>, window_params = [{transform_indices = #map}, {transform_indices = #map}, {transform_indices = #map1}, {transform_indices = #map1}, {transform_indices = #map}, {transform_indices = #map}, {transform_indices = #map}]} {
    %mul3A = arith.constant 2 : i32
    %mul3A_0 = arith.muli %arg1, %mul3A : i32
    %add3A = arith.addi %mul3A_0, %arg0 : i32
    %mul3A_1 = arith.constant 512 : i32
    %mul3A_2 = arith.muli %add3A, %mul3A_1 : i32
    "tpu.region"() ({
      %run_scoped3A = tpu.sem_alloc : memref<!tpu.dma_semaphore, #tpu.memory_space<semaphore_mem>>
      %dma_start3A_142 = tpu.memref_slice %arg2[%mul3A_2] : memref<16384xi32, #tpu.memory_space<hbm>> -> memref<512xi32, #tpu.memory_space<hbm>>
      %dma_start3A_143 = tpu.memref_slice %arg2[%mul3A_2] : memref<16384xi32, #tpu.memory_space<hbm>> -> memref<512xi32, #tpu.memory_space<hbm>>
      tpu.enqueue_dma source(%dma_start3A_143 : memref<512xi32, #tpu.memory_space<hbm>>) target(%arg9 : memref<512xi32, #tpu.memory_space<vmem>>) target_semaphore(%run_scoped3A : memref<!tpu.dma_semaphore, #tpu.memory_space<semaphore_mem>>)
      %dma_wait3A_144 = tpu.memref_slice %arg2[%mul3A_2] : memref<16384xi32, #tpu.memory_space<hbm>> -> memref<512xi32, #tpu.memory_space<hbm>>
      %dma_wait3A_145 = tpu.memref_slice %arg2[%mul3A_2] : memref<16384xi32, #tpu.memory_space<hbm>> -> memref<512xi32, #tpu.memory_space<hbm>>
      tpu.wait_dma2 semaphore(%run_scoped3A : memref<!tpu.dma_semaphore, #tpu.memory_space<semaphore_mem>>) src(%dma_wait3A_145 : memref<512xi32, #tpu.memory_space<hbm>>) dst(%arg9 : memref<512xi32, #tpu.memory_space<vmem>>)
      tpu.yield
    }) : () -> ()
    "tpu.region"() ({
      %run_scoped3A = tpu.sem_alloc : memref<!tpu.dma_semaphore, #tpu.memory_space<semaphore_mem>>
      %dma_start3A_142 = tpu.memref_slice %arg3[%mul3A_2] : memref<16384xi32, #tpu.memory_space<hbm>> -> memref<512xi32, #tpu.memory_space<hbm>>
      %dma_start3A_143 = tpu.memref_slice %arg3[%mul3A_2] : memref<16384xi32, #tpu.memory_space<hbm>> -> memref<512xi32, #tpu.memory_space<hbm>>
      tpu.enqueue_dma source(%dma_start3A_143 : memref<512xi32, #tpu.memory_space<hbm>>) target(%arg10 : memref<512xi32, #tpu.memory_space<vmem>>) target_semaphore(%run_scoped3A : memref<!tpu.dma_semaphore, #tpu.memory_space<semaphore_mem>>)
      %dma_wait3A_144 = tpu.memref_slice %arg3[%mul3A_2] : memref<16384xi32, #tpu.memory_space<hbm>> -> memref<512xi32, #tpu.memory_space<hbm>>
      %dma_wait3A_145 = tpu.memref_slice %arg3[%mul3A_2] : memref<16384xi32, #tpu.memory_space<hbm>> -> memref<512xi32, #tpu.memory_space<hbm>>
      tpu.wait_dma2 semaphore(%run_scoped3A : memref<!tpu.dma_semaphore, #tpu.memory_space<semaphore_mem>>) src(%dma_wait3A_145 : memref<512xi32, #tpu.memory_space<hbm>>) dst(%arg10 : memref<512xi32, #tpu.memory_space<vmem>>)
      tpu.yield
    }) : () -> ()
    %dma_start3A = arith.constant 0 : i32
    %dma_start3A_3 = tpu.memref_slice %arg6[%dma_start3A] : memref<100000xf32, #tpu.memory_space<hbm>> -> memref<100000xf32, #tpu.memory_space<hbm>>
    tpu.enqueue_indirect_dma source(%dma_start3A_3 : memref<100000xf32, #tpu.memory_space<hbm>>) target(%arg18 : memref<512xf32, #tpu.memory_space<vmem>>) offsets(%arg9 : memref<512xi32, #tpu.memory_space<vmem>>) semaphore(%arg24 : memref<!tpu.dma_semaphore, #tpu.memory_space<semaphore_mem>>)
    %dma_start3A_4 = arith.constant 0 : i32
    %dma_start3A_5 = tpu.memref_slice %arg7[%dma_start3A_4] : memref<100000xf32, #tpu.memory_space<hbm>> -> memref<100000xf32, #tpu.memory_space<hbm>>
    tpu.enqueue_indirect_dma source(%dma_start3A_5 : memref<100000xf32, #tpu.memory_space<hbm>>) target(%arg19 : memref<512xf32, #tpu.memory_space<vmem>>) offsets(%arg10 : memref<512xi32, #tpu.memory_space<vmem>>) semaphore(%arg24 : memref<!tpu.dma_semaphore, #tpu.memory_space<semaphore_mem>>)
    %scan3A = arith.constant 0 : i32
    %scan3A_6 = arith.constant 0 : i32
    %scan3A_7 = arith.constant 32 : i32
    %scan3A_8 = arith.addi %scan3A_6, %scan3A_7 : i32
    %scan3A_9 = arith.constant 1 : i32
    scf.for %scan3A_142 = %scan3A_6 to %scan3A_8 step %scan3A_9  : i32 {
      %mul3A_143 = arith.constant 16 : i32
      %mul3A_144 = arith.muli %scan3A_142, %mul3A_143 : i32
      %multiple_of3A = tpu.assume_multiple %mul3A_144, 16 : i32
      %get3A = arith.index_cast %multiple_of3A : i32 to index
      %get3A_145 = tpu.vector_load %arg9[%get3A] {strides = array<i32>} : memref<512xi32, #tpu.memory_space<vmem>>, vector<16xi32>,
      %get3A_146 = arith.index_cast %multiple_of3A : i32 to index
      %get3A_147 = tpu.vector_load %arg10[%get3A_146] {strides = array<i32>} : memref<512xi32, #tpu.memory_space<vmem>>, vector<16xi32>,
      %ge3A = arith.constant 50048 : i32
      %ge3A_148 = vector.broadcast %ge3A : i32 to vector<16xi32>
      %ge3A_149 = arith.cmpi sge, %get3A_145, %ge3A_148 : vector<16xi32>
      %jit3A = arith.constant 1 : i32
      %jit3A_150 = arith.constant 0 : i32
      %broadcast_in_dim3A = vector.broadcast %jit3A : i32 to vector<16xi32>
      %broadcast_in_dim3A_151 = vector.broadcast %jit3A_150 : i32 to vector<16xi32>
      %select_n3A = arith.select %ge3A_149, %broadcast_in_dim3A, %broadcast_in_dim3A_151 : vector<16xi1>, vector<16xi32>
      %ge3A_152 = arith.constant 50048 : i32
      %ge3A_153 = vector.broadcast %ge3A_152 : i32 to vector<16xi32>
      %ge3A_154 = arith.cmpi sge, %get3A_147, %ge3A_153 : vector<16xi32>
      %jit3A_155 = arith.constant 1 : i32
      %jit3A_156 = arith.constant 0 : i32
      %broadcast_in_dim3A_157 = vector.broadcast %jit3A_155 : i32 to vector<16xi32>
      %broadcast_in_dim3A_158 = vector.broadcast %jit3A_156 : i32 to vector<16xi32>
      %select_n3A_159 = arith.select %ge3A_154, %broadcast_in_dim3A_157, %broadcast_in_dim3A_158 : vector<16xi1>, vector<16xi32>
      %mul3A_160 = arith.constant 50048 : i32
      %mul3A_161 = vector.broadcast %mul3A_160 : i32 to vector<16xi32>
      %mul3A_162 = arith.muli %select_n3A, %mul3A_161 : vector<16xi32>
      %sub3A = arith.subi %get3A_145, %mul3A_162 : vector<16xi32>
      %swap3A = arith.index_cast %multiple_of3A : i32 to index
      %swap3A_163 = tpu.vector_load %arg11[%swap3A] {strides = array<i32>} : memref<512xi32, #tpu.memory_space<vmem>>, vector<16xi32>,
      tpu.vector_store %arg11[%swap3A], %sub3A {strides = array<i32>} : memref<512xi32, #tpu.memory_space<vmem>>, vector<16xi32>,
      %mul3A_164 = arith.constant 50048 : i32
      %mul3A_165 = vector.broadcast %mul3A_164 : i32 to vector<16xi32>
      %mul3A_166 = arith.muli %select_n3A_159, %mul3A_165 : vector<16xi32>
      %sub3A_167 = arith.subi %get3A_147, %mul3A_166 : vector<16xi32>
      %swap3A_168 = arith.index_cast %multiple_of3A : i32 to index
      %swap3A_169 = tpu.vector_load %arg12[%swap3A_168] {strides = array<i32>} : memref<512xi32, #tpu.memory_space<vmem>>, vector<16xi32>,
      tpu.vector_store %arg12[%swap3A_168], %sub3A_167 {strides = array<i32>} : memref<512xi32, #tpu.memory_space<vmem>>, vector<16xi32>,
      %mul3A_170 = arith.constant 2 : i32
      %mul3A_171 = vector.broadcast %mul3A_170 : i32 to vector<16xi32>
      %mul3A_172 = arith.muli %select_n3A, %mul3A_171 : vector<16xi32>
      %add3A_173 = arith.addi %mul3A_172, %select_n3A_159 : vector<16xi32>
      %swap3A_174 = arith.index_cast %multiple_of3A : i32 to index
      %swap3A_175 = tpu.vector_load %arg13[%swap3A_174] {strides = array<i32>} : memref<512xi32, #tpu.memory_space<vmem>>, vector<16xi32>,
      tpu.vector_store %arg13[%swap3A_174], %add3A_173 {strides = array<i32>} : memref<512xi32, #tpu.memory_space<vmem>>, vector<16xi32>,
    }
    %scan3A_10 = arith.constant 32 : i32
    %dma_wait3A = arith.constant 0 : i32
    %dma_wait3A_11 = tpu.memref_slice %arg6[%dma_wait3A] : memref<100000xf32, #tpu.memory_space<hbm>> -> memref<100000xf32, #tpu.memory_space<hbm>>
    tpu.wait_indirect_dma semaphore(%arg24 : memref<!tpu.dma_semaphore, #tpu.memory_space<semaphore_mem>>) src(%dma_wait3A_11 : memref<100000xf32, #tpu.memory_space<hbm>>) dst(%arg18 : memref<512xf32, #tpu.memory_space<vmem>>)
    %dma_wait3A_12 = arith.constant 0 : i32
    %dma_wait3A_13 = tpu.memref_slice %arg7[%dma_wait3A_12] : memref<100000xf32, #tpu.memory_space<hbm>> -> memref<100000xf32, #tpu.memory_space<hbm>>
    tpu.wait_indirect_dma semaphore(%arg24 : memref<!tpu.dma_semaphore, #tpu.memory_space<semaphore_mem>>) src(%dma_wait3A_13 : memref<100000xf32, #tpu.memory_space<hbm>>) dst(%arg19 : memref<512xf32, #tpu.memory_space<vmem>>)
    %iota3A = tpu.iota {dimensions = array<i32: 0>} : vector<16xi32>
    %dma_start3A_14 = arith.constant 0 : i32
    %dma_start3A_15 = tpu.memref_slice %arg11[%dma_start3A_14] : memref<512xi32, #tpu.memory_space<vmem>> -> memref<128xi32, #tpu.memory_space<vmem>>
    %dma_start3A_16 = arith.constant 0 : i32
    %dma_start3A_17 = arith.constant 0 : i32
    %dma_start3A_18 = tpu.memref_slice %arg4[%dma_start3A_16, %dma_start3A_17] : memref<50048x128xf32, #tpu.memory_space<hbm>> -> memref<50048x128xf32, #tpu.memory_space<hbm>>
    tpu.enqueue_indirect_dma source(%dma_start3A_18 : memref<50048x128xf32, #tpu.memory_space<hbm>>) target(%arg14 : memref<128x128xf32, #tpu.memory_space<vmem>>) offsets(%dma_start3A_15 : memref<128xi32, #tpu.memory_space<vmem>>) semaphore(%arg22 : memref<!tpu.dma_semaphore, #tpu.memory_space<semaphore_mem>>)
    %dma_start3A_19 = arith.constant 0 : i32
    %dma_start3A_20 = tpu.memref_slice %arg12[%dma_start3A_19] : memref<512xi32, #tpu.memory_space<vmem>> -> memref<128xi32, #tpu.memory_space<vmem>>
    %dma_start3A_21 = arith.constant 0 : i32
    %dma_start3A_22 = arith.constant 0 : i32
    %dma_start3A_23 = tpu.memref_slice %arg5[%dma_start3A_21, %dma_start3A_22] : memref<50048x128xf32, #tpu.memory_space<hbm>> -> memref<50048x128xf32, #tpu.memory_space<hbm>>
    tpu.enqueue_indirect_dma source(%dma_start3A_23 : memref<50048x128xf32, #tpu.memory_space<hbm>>) target(%arg16 : memref<128x128xf32, #tpu.memory_space<vmem>>) offsets(%dma_start3A_20 : memref<128xi32, #tpu.memory_space<vmem>>) semaphore(%arg22 : memref<!tpu.dma_semaphore, #tpu.memory_space<semaphore_mem>>)
    %dma_start3A_24 = arith.constant 128 : i32
    %dma_start3A_25 = tpu.memref_slice %arg11[%dma_start3A_24] : memref<512xi32, #tpu.memory_space<vmem>> -> memref<128xi32, #tpu.memory_space<vmem>>
    %dma_start3A_26 = arith.constant 0 : i32
    %dma_start3A_27 = arith.constant 0 : i32
    %dma_start3A_28 = tpu.memref_slice %arg4[%dma_start3A_26, %dma_start3A_27] : memref<50048x128xf32, #tpu.memory_space<hbm>> -> memref<50048x128xf32, #tpu.memory_space<hbm>>
    tpu.enqueue_indirect_dma source(%dma_start3A_28 : memref<50048x128xf32, #tpu.memory_space<hbm>>) target(%arg15 : memref<128x128xf32, #tpu.memory_space<vmem>>) offsets(%dma_start3A_25 : memref<128xi32, #tpu.memory_space<vmem>>) semaphore(%arg23 : memref<!tpu.dma_semaphore, #tpu.memory_space<semaphore_mem>>)
    %dma_start3A_29 = arith.constant 128 : i32
    %dma_start3A_30 = tpu.memref_slice %arg12[%dma_start3A_29] : memref<512xi32, #tpu.memory_space<vmem>> -> memref<128xi32, #tpu.memory_space<vmem>>
    %dma_start3A_31 = arith.constant 0 : i32
    %dma_start3A_32 = arith.constant 0 : i32
    %dma_start3A_33 = tpu.memref_slice %arg5[%dma_start3A_31, %dma_start3A_32] : memref<50048x128xf32, #tpu.memory_space<hbm>> -> memref<50048x128xf32, #tpu.memory_space<hbm>>
    tpu.enqueue_indirect_dma source(%dma_start3A_33 : memref<50048x128xf32, #tpu.memory_space<hbm>>) target(%arg17 : memref<128x128xf32, #tpu.memory_space<vmem>>) offsets(%dma_start3A_30 : memref<128xi32, #tpu.memory_space<vmem>>) semaphore(%arg23 : memref<!tpu.dma_semaphore, #tpu.memory_space<semaphore_mem>>)
    %dma_wait3A_34 = arith.constant 0 : i32
    %dma_wait3A_35 = tpu.memref_slice %arg11[%dma_wait3A_34] : memref<512xi32, #tpu.memory_space<vmem>> -> memref<128xi32, #tpu.memory_space<vmem>>
    %dma_wait3A_36 = arith.constant 0 : i32
    %dma_wait3A_37 = arith.constant 0 : i32
    %dma_wait3A_38 = tpu.memref_slice %arg4[%dma_wait3A_36, %dma_wait3A_37] : memref<50048x128xf32, #tpu.memory_space<hbm>> -> memref<50048x128xf32, #tpu.memory_space<hbm>>
    tpu.wait_indirect_dma semaphore(%arg22 : memref<!tpu.dma_semaphore, #tpu.memory_space<semaphore_mem>>) src(%dma_wait3A_38 : memref<50048x128xf32, #tpu.memory_space<hbm>>) dst(%arg14 : memref<128x128xf32, #tpu.memory_space<vmem>>)
    %dma_wait3A_39 = arith.constant 0 : i32
    %dma_wait3A_40 = tpu.memref_slice %arg12[%dma_wait3A_39] : memref<512xi32, #tpu.memory_space<vmem>> -> memref<128xi32, #tpu.memory_space<vmem>>
    %dma_wait3A_41 = arith.constant 0 : i32
    %dma_wait3A_42 = arith.constant 0 : i32
    %dma_wait3A_43 = tpu.memref_slice %arg5[%dma_wait3A_41, %dma_wait3A_42] : memref<50048x128xf32, #tpu.memory_space<hbm>> -> memref<50048x128xf32, #tpu.memory_space<hbm>>
    tpu.wait_indirect_dma semaphore(%arg22 : memref<!tpu.dma_semaphore, #tpu.memory_space<semaphore_mem>>) src(%dma_wait3A_43 : memref<50048x128xf32, #tpu.memory_space<hbm>>) dst(%arg16 : memref<128x128xf32, #tpu.memory_space<vmem>>)
    %scan3A_44 = arith.constant 0 : i32
    %scan3A_45 = arith.constant 0 : i32
    %scan3A_46 = arith.constant 128 : i32
    %scan3A_47 = arith.addi %scan3A_45, %scan3A_46 : i32
    %scan3A_48 = arith.constant 1 : i32
    scf.for %scan3A_142 = %scan3A_45 to %scan3A_47 step %scan3A_48  : i32 {
      %get3A = arith.index_cast %scan3A_142 : i32 to index
      %get3A_143 = arith.constant 0 : index
      %get3A_144 = tpu.vector_load %arg14[%get3A, %get3A_143] {strides = array<i32>} : memref<128x128xf32, #tpu.memory_space<vmem>>, vector<16xf32>,
      %get3A_145 = arith.index_cast %scan3A_142 : i32 to index
      %get3A_146 = arith.constant 16 : index
      %get3A_147 = tpu.vector_load %arg14[%get3A_145, %get3A_146] {strides = array<i32>} : memref<128x128xf32, #tpu.memory_space<vmem>>, vector<16xf32>,
      %get3A_148 = arith.index_cast %scan3A_142 : i32 to index
      %get3A_149 = arith.constant 32 : index
      %get3A_150 = tpu.vector_load %arg14[%get3A_148, %get3A_149] {strides = array<i32>} : memref<128x128xf32, #tpu.memory_space<vmem>>, vector<16xf32>,
      %get3A_151 = arith.index_cast %scan3A_142 : i32 to index
      %get3A_152 = arith.constant 48 : index
      %get3A_153 = tpu.vector_load %arg14[%get3A_151, %get3A_152] {strides = array<i32>} : memref<128x128xf32, #tpu.memory_space<vmem>>, vector<16xf32>,
      %get3A_154 = arith.index_cast %scan3A_142 : i32 to index
      %get3A_155 = arith.constant 64 : index
      %get3A_156 = tpu.vector_load %arg14[%get3A_154, %get3A_155] {strides = array<i32>} : memref<128x128xf32, #tpu.memory_space<vmem>>, vector<16xf32>,
      %get3A_157 = arith.index_cast %scan3A_142 : i32 to index
      %get3A_158 = arith.constant 80 : index
      %get3A_159 = tpu.vector_load %arg14[%get3A_157, %get3A_158] {strides = array<i32>} : memref<128x128xf32, #tpu.memory_space<vmem>>, vector<16xf32>,
      %get3A_160 = arith.index_cast %scan3A_142 : i32 to index
      %get3A_161 = arith.constant 96 : index
      %get3A_162 = tpu.vector_load %arg14[%get3A_160, %get3A_161] {strides = array<i32>} : memref<128x128xf32, #tpu.memory_space<vmem>>, vector<16xf32>,
      %get3A_163 = arith.index_cast %scan3A_142 : i32 to index
      %get3A_164 = arith.constant 112 : index
      %get3A_165 = tpu.vector_load %arg14[%get3A_163, %get3A_164] {strides = array<i32>} : memref<128x128xf32, #tpu.memory_space<vmem>>, vector<16xf32>,
      %get3A_166 = arith.index_cast %scan3A_142 : i32 to index
      %get3A_167 = arith.constant 0 : index
      %get3A_168 = tpu.vector_load %arg16[%get3A_166, %get3A_167] {strides = array<i32>} : memref<128x128xf32, #tpu.memory_space<vmem>>, vector<16xf32>,
      %get3A_169 = arith.index_cast %scan3A_142 : i32 to index
      %get3A_170 = arith.constant 16 : index
      %get3A_171 = tpu.vector_load %arg16[%get3A_169, %get3A_170] {strides = array<i32>} : memref<128x128xf32, #tpu.memory_space<vmem>>, vector<16xf32>,
      %get3A_172 = arith.index_cast %scan3A_142 : i32 to index
      %get3A_173 = arith.constant 32 : index
      %get3A_174 = tpu.vector_load %arg16[%get3A_172, %get3A_173] {strides = array<i32>} : memref<128x128xf32, #tpu.memory_space<vmem>>, vector<16xf32>,
      %get3A_175 = arith.index_cast %scan3A_142 : i32 to index
      %get3A_176 = arith.constant 48 : index
      %get3A_177 = tpu.vector_load %arg16[%get3A_175, %get3A_176] {strides = array<i32>} : memref<128x128xf32, #tpu.memory_space<vmem>>, vector<16xf32>,
      %get3A_178 = arith.index_cast %scan3A_142 : i32 to index
      %get3A_179 = arith.constant 64 : index
      %get3A_180 = tpu.vector_load %arg16[%get3A_178, %get3A_179] {strides = array<i32>} : memref<128x128xf32, #tpu.memory_space<vmem>>, vector<16xf32>,
      %get3A_181 = arith.index_cast %scan3A_142 : i32 to index
      %get3A_182 = arith.constant 80 : index
      %get3A_183 = tpu.vector_load %arg16[%get3A_181, %get3A_182] {strides = array<i32>} : memref<128x128xf32, #tpu.memory_space<vmem>>, vector<16xf32>,
      %get3A_184 = arith.index_cast %scan3A_142 : i32 to index
      %get3A_185 = arith.constant 96 : index
      %get3A_186 = tpu.vector_load %arg16[%get3A_184, %get3A_185] {strides = array<i32>} : memref<128x128xf32, #tpu.memory_space<vmem>>, vector<16xf32>,
      %get3A_187 = arith.index_cast %scan3A_142 : i32 to index
      %get3A_188 = arith.constant 112 : index
      %get3A_189 = tpu.vector_load %arg16[%get3A_187, %get3A_188] {strides = array<i32>} : memref<128x128xf32, #tpu.memory_space<vmem>>, vector<16xf32>,
      %mul3A_190 = arith.mulf %get3A_144, %get3A_168 : vector<16xf32>
      %mul3A_191 = arith.mulf %get3A_144, %get3A_180 : vector<16xf32>
      %mul3A_192 = arith.mulf %get3A_156, %get3A_168 : vector<16xf32>
      %mul3A_193 = arith.mulf %get3A_156, %get3A_180 : vector<16xf32>
      %mul3A_194 = arith.mulf %get3A_147, %get3A_171 : vector<16xf32>
      %add3A_195 = arith.addf %mul3A_190, %mul3A_194 : vector<16xf32>
      %mul3A_196 = arith.mulf %get3A_147, %get3A_183 : vector<16xf32>
      %add3A_197 = arith.addf %mul3A_191, %mul3A_196 : vector<16xf32>
      %mul3A_198 = arith.mulf %get3A_159, %get3A_171 : vector<16xf32>
      %add3A_199 = arith.addf %mul3A_192, %mul3A_198 : vector<16xf32>
      %mul3A_200 = arith.mulf %get3A_159, %get3A_183 : vector<16xf32>
      %add3A_201 = arith.addf %mul3A_193, %mul3A_200 : vector<16xf32>
      %mul3A_202 = arith.mulf %get3A_150, %get3A_174 : vector<16xf32>
      %add3A_203 = arith.addf %add3A_195, %mul3A_202 : vector<16xf32>
      %mul3A_204 = arith.mulf %get3A_150, %get3A_186 : vector<16xf32>
      %add3A_205 = arith.addf %add3A_197, %mul3A_204 : vector<16xf32>
      %mul3A_206 = arith.mulf %get3A_162, %get3A_174 : vector<16xf32>
      %add3A_207 = arith.addf %add3A_199, %mul3A_206 : vector<16xf32>
      %mul3A_208 = arith.mulf %get3A_162, %get3A_186 : vector<16xf32>
      %add3A_209 = arith.addf %add3A_201, %mul3A_208 : vector<16xf32>
      %mul3A_210 = arith.mulf %get3A_153, %get3A_177 : vector<16xf32>
      %add3A_211 = arith.addf %add3A_203, %mul3A_210 : vector<16xf32>
      %mul3A_212 = arith.mulf %get3A_153, %get3A_189 : vector<16xf32>
      %add3A_213 = arith.addf %add3A_205, %mul3A_212 : vector<16xf32>
      %mul3A_214 = arith.mulf %get3A_165, %get3A_177 : vector<16xf32>
      %add3A_215 = arith.addf %add3A_207, %mul3A_214 : vector<16xf32>
      %mul3A_216 = arith.mulf %get3A_165, %get3A_189 : vector<16xf32>
      %add3A_217 = arith.addf %add3A_209, %mul3A_216 : vector<16xf32>
      %mul3A_218 = arith.constant 16 : i32
      %mul3A_219 = arith.muli %scan3A_142, %mul3A_218 : i32
      %multiple_of3A = tpu.assume_multiple %mul3A_219, 16 : i32
      %swap3A = arith.index_cast %multiple_of3A : i32 to index
      %swap3A_220 = tpu.vector_load %arg20[%swap3A] {strides = array<i32>} : memref<8192xf32, #tpu.memory_space<vmem>>, vector<16xf32>,
      tpu.vector_store %arg20[%swap3A], %add3A_211 {strides = array<i32>} : memref<8192xf32, #tpu.memory_space<vmem>>, vector<16xf32>,
      %add3A_221 = arith.constant 2048 : i32
      %add3A_222 = arith.addi %multiple_of3A, %add3A_221 : i32
      %swap3A_223 = arith.index_cast %add3A_222 : i32 to index
      %swap3A_224 = tpu.vector_load %arg20[%swap3A_223] {strides = array<i32>} : memref<8192xf32, #tpu.memory_space<vmem>>, vector<16xf32>,
      tpu.vector_store %arg20[%swap3A_223], %add3A_213 {strides = array<i32>} : memref<8192xf32, #tpu.memory_space<vmem>>, vector<16xf32>,
      %add3A_225 = arith.constant 4096 : i32
      %add3A_226 = arith.addi %multiple_of3A, %add3A_225 : i32
      %swap3A_227 = arith.index_cast %add3A_226 : i32 to index
      %swap3A_228 = tpu.vector_load %arg20[%swap3A_227] {strides = array<i32>} : memref<8192xf32, #tpu.memory_space<vmem>>, vector<16xf32>,
      tpu.vector_store %arg20[%swap3A_227], %add3A_215 {strides = array<i32>} : memref<8192xf32, #tpu.memory_space<vmem>>, vector<16xf32>,
      %add3A_229 = arith.constant 6144 : i32
      %add3A_230 = arith.addi %multiple_of3A, %add3A_229 : i32
      %swap3A_231 = arith.index_cast %add3A_230 : i32 to index
      %swap3A_232 = tpu.vector_load %arg20[%swap3A_231] {strides = array<i32>} : memref<8192xf32, #tpu.memory_space<vmem>>, vector<16xf32>,
      tpu.vector_store %arg20[%swap3A_231], %add3A_217 {strides = array<i32>} : memref<8192xf32, #tpu.memory_space<vmem>>, vector<16xf32>,
    }
    %scan3A_49 = arith.constant 128 : i32
    %scan3A_50 = arith.constant 0 : i32
    %scan3A_51 = arith.constant 0 : i32
    %scan3A_52 = arith.constant 8 : i32
    %scan3A_53 = arith.addi %scan3A_51, %scan3A_52 : i32
    %scan3A_54 = arith.constant 1 : i32
    scf.for %scan3A_142 = %scan3A_51 to %scan3A_53 step %scan3A_54  : i32 {
      %mul3A_143 = arith.constant 16 : i32
      %mul3A_144 = arith.muli %scan3A_142, %mul3A_143 : i32
      %add3A_145 = arith.constant 0 : i32
      %add3A_146 = arith.addi %add3A_145, %mul3A_144 : i32
      %get3A = arith.index_cast %add3A_146 : i32 to index
      %get3A_147 = tpu.vector_load %arg13[%get3A] {strides = array<i32>} : memref<512xi32, #tpu.memory_space<vmem>>, vector<16xi32>,
      %mul3A_148 = arith.constant 2048 : i32
      %mul3A_149 = vector.broadcast %mul3A_148 : i32 to vector<16xi32>
      %mul3A_150 = arith.muli %get3A_147, %mul3A_149 : vector<16xi32>
      %mul3A_151 = arith.constant 256 : i32
      %mul3A_152 = arith.muli %scan3A_142, %mul3A_151 : i32
      %add3A_153 = vector.broadcast %mul3A_152 : i32 to vector<16xi32>
      %add3A_154 = arith.addi %mul3A_150, %add3A_153 : vector<16xi32>
      %mul3A_155 = arith.constant 16 : i32
      %mul3A_156 = vector.broadcast %mul3A_155 : i32 to vector<16xi32>
      %mul3A_157 = arith.muli %iota3A, %mul3A_156 : vector<16xi32>
      %add3A_158 = arith.addi %add3A_154, %mul3A_157 : vector<16xi32>
      %gather3A = tpu.vector_load_idx %arg20[%add3A_158] : memref<8192xf32, #tpu.memory_space<vmem>>[vector<16xi32>], vector<16xf32>,
      %add3A_159 = arith.constant 1 : i32
      %add3A_160 = vector.broadcast %add3A_159 : i32 to vector<16xi32>
      %add3A_161 = arith.addi %add3A_158, %add3A_160 : vector<16xi32>
      %gather3A_162 = tpu.vector_load_idx %arg20[%add3A_161] : memref<8192xf32, #tpu.memory_space<vmem>>[vector<16xi32>], vector<16xf32>,
      %add3A_163 = arith.addf %gather3A, %gather3A_162 : vector<16xf32>
      %add3A_164 = arith.constant 2 : i32
      %add3A_165 = vector.broadcast %add3A_164 : i32 to vector<16xi32>
      %add3A_166 = arith.addi %add3A_158, %add3A_165 : vector<16xi32>
      %gather3A_167 = tpu.vector_load_idx %arg20[%add3A_166] : memref<8192xf32, #tpu.memory_space<vmem>>[vector<16xi32>], vector<16xf32>,
      %add3A_168 = arith.addf %add3A_163, %gather3A_167 : vector<16xf32>
      %add3A_169 = arith.constant 3 : i32
      %add3A_170 = vector.broadcast %add3A_169 : i32 to vector<16xi32>
      %add3A_171 = arith.addi %add3A_158, %add3A_170 : vector<16xi32>
      %gather3A_172 = tpu.vector_load_idx %arg20[%add3A_171] : memref<8192xf32, #tpu.memory_space<vmem>>[vector<16xi32>], vector<16xf32>,
      %add3A_173 = arith.addf %add3A_168, %gather3A_172 : vector<16xf32>
      %add3A_174 = arith.constant 4 : i32
      %add3A_175 = vector.broadcast %add3A_174 : i32 to vector<16xi32>
      %add3A_176 = arith.addi %add3A_158, %add3A_175 : vector<16xi32>
      %gather3A_177 = tpu.vector_load_idx %arg20[%add3A_176] : memref<8192xf32, #tpu.memory_space<vmem>>[vector<16xi32>], vector<16xf32>,
      %add3A_178 = arith.addf %add3A_173, %gather3A_177 : vector<16xf32>
      %add3A_179 = arith.constant 5 : i32
      %add3A_180 = vector.broadcast %add3A_179 : i32 to vector<16xi32>
      %add3A_181 = arith.addi %add3A_158, %add3A_180 : vector<16xi32>
      %gather3A_182 = tpu.vector_load_idx %arg20[%add3A_181] : memref<8192xf32, #tpu.memory_space<vmem>>[vector<16xi32>], vector<16xf32>,
      %add3A_183 = arith.addf %add3A_178, %gather3A_182 : vector<16xf32>
      %add3A_184 = arith.constant 6 : i32
      %add3A_185 = vector.broadcast %add3A_184 : i32 to vector<16xi32>
      %add3A_186 = arith.addi %add3A_158, %add3A_185 : vector<16xi32>
      %gather3A_187 = tpu.vector_load_idx %arg20[%add3A_186] : memref<8192xf32, #tpu.memory_space<vmem>>[vector<16xi32>], vector<16xf32>,
      %add3A_188 = arith.addf %add3A_183, %gather3A_187 : vector<16xf32>
      %add3A_189 = arith.constant 7 : i32
      %add3A_190 = vector.broadcast %add3A_189 : i32 to vector<16xi32>
      %add3A_191 = arith.addi %add3A_158, %add3A_190 : vector<16xi32>
      %gather3A_192 = tpu.vector_load_idx %arg20[%add3A_191] : memref<8192xf32, #tpu.memory_space<vmem>>[vector<16xi32>], vector<16xf32>,
      %add3A_193 = arith.addf %add3A_188, %gather3A_192 : vector<16xf32>
      %add3A_194 = arith.constant 8 : i32
      %add3A_195 = vector.broadcast %add3A_194 : i32 to vector<16xi32>
      %add3A_196 = arith.addi %add3A_158, %add3A_195 : vector<16xi32>
      %gather3A_197 = tpu.vector_load_idx %arg20[%add3A_196] : memref<8192xf32, #tpu.memory_space<vmem>>[vector<16xi32>], vector<16xf32>,
      %add3A_198 = arith.addf %add3A_193, %gather3A_197 : vector<16xf32>
      %add3A_199 = arith.constant 9 : i32
      %add3A_200 = vector.broadcast %add3A_199 : i32 to vector<16xi32>
      %add3A_201 = arith.addi %add3A_158, %add3A_200 : vector<16xi32>
      %gather3A_202 = tpu.vector_load_idx %arg20[%add3A_201] : memref<8192xf32, #tpu.memory_space<vmem>>[vector<16xi32>], vector<16xf32>,
      %add3A_203 = arith.addf %add3A_198, %gather3A_202 : vector<16xf32>
      %add3A_204 = arith.constant 10 : i32
      %add3A_205 = vector.broadcast %add3A_204 : i32 to vector<16xi32>
      %add3A_206 = arith.addi %add3A_158, %add3A_205 : vector<16xi32>
      %gather3A_207 = tpu.vector_load_idx %arg20[%add3A_206] : memref<8192xf32, #tpu.memory_space<vmem>>[vector<16xi32>], vector<16xf32>,
      %add3A_208 = arith.addf %add3A_203, %gather3A_207 : vector<16xf32>
      %add3A_209 = arith.constant 11 : i32
      %add3A_210 = vector.broadcast %add3A_209 : i32 to vector<16xi32>
      %add3A_211 = arith.addi %add3A_158, %add3A_210 : vector<16xi32>
      %gather3A_212 = tpu.vector_load_idx %arg20[%add3A_211] : memref<8192xf32, #tpu.memory_space<vmem>>[vector<16xi32>], vector<16xf32>,
      %add3A_213 = arith.addf %add3A_208, %gather3A_212 : vector<16xf32>
      %add3A_214 = arith.constant 12 : i32
      %add3A_215 = vector.broadcast %add3A_214 : i32 to vector<16xi32>
      %add3A_216 = arith.addi %add3A_158, %add3A_215 : vector<16xi32>
      %gather3A_217 = tpu.vector_load_idx %arg20[%add3A_216] : memref<8192xf32, #tpu.memory_space<vmem>>[vector<16xi32>], vector<16xf32>,
      %add3A_218 = arith.addf %add3A_213, %gather3A_217 : vector<16xf32>
      %add3A_219 = arith.constant 13 : i32
      %add3A_220 = vector.broadcast %add3A_219 : i32 to vector<16xi32>
      %add3A_221 = arith.addi %add3A_158, %add3A_220 : vector<16xi32>
      %gather3A_222 = tpu.vector_load_idx %arg20[%add3A_221] : memref<8192xf32, #tpu.memory_space<vmem>>[vector<16xi32>], vector<16xf32>,
      %add3A_223 = arith.addf %add3A_218, %gather3A_222 : vector<16xf32>
      %add3A_224 = arith.constant 14 : i32
      %add3A_225 = vector.broadcast %add3A_224 : i32 to vector<16xi32>
      %add3A_226 = arith.addi %add3A_158, %add3A_225 : vector<16xi32>
      %gather3A_227 = tpu.vector_load_idx %arg20[%add3A_226] : memref<8192xf32, #tpu.memory_space<vmem>>[vector<16xi32>], vector<16xf32>,
      %add3A_228 = arith.addf %add3A_223, %gather3A_227 : vector<16xf32>
      %add3A_229 = arith.constant 15 : i32
      %add3A_230 = vector.broadcast %add3A_229 : i32 to vector<16xi32>
      %add3A_231 = arith.addi %add3A_158, %add3A_230 : vector<16xi32>
      %gather3A_232 = tpu.vector_load_idx %arg20[%add3A_231] : memref<8192xf32, #tpu.memory_space<vmem>>[vector<16xi32>], vector<16xf32>,
      %add3A_233 = arith.addf %add3A_228, %gather3A_232 : vector<16xf32>
      %get3A_234 = arith.index_cast %add3A_146 : i32 to index
      %get3A_235 = tpu.vector_load %arg18[%get3A_234] {strides = array<i32>} : memref<512xf32, #tpu.memory_space<vmem>>, vector<16xf32>,
      %add3A_236 = arith.addf %add3A_233, %get3A_235 : vector<16xf32>
      %get3A_237 = arith.index_cast %add3A_146 : i32 to index
      %get3A_238 = tpu.vector_load %arg19[%get3A_237] {strides = array<i32>} : memref<512xf32, #tpu.memory_space<vmem>>, vector<16xf32>,
      %add3A_239 = arith.addf %add3A_236, %get3A_238 : vector<16xf32>
      %swap3A = arith.index_cast %add3A_146 : i32 to index
      %swap3A_240 = tpu.vector_load %arg21[%swap3A] {strides = array<i32>} : memref<512xf32, #tpu.memory_space<vmem>>, vector<16xf32>,
      tpu.vector_store %arg21[%swap3A], %add3A_239 {strides = array<i32>} : memref<512xf32, #tpu.memory_space<vmem>>, vector<16xf32>,
    }
    %scan3A_55 = arith.constant 8 : i32
    %dma_start3A_56 = arith.constant 256 : i32
    %dma_start3A_57 = tpu.memref_slice %arg11[%dma_start3A_56] : memref<512xi32, #tpu.memory_space<vmem>> -> memref<128xi32, #tpu.memory_space<vmem>>
    %dma_start3A_58 = arith.constant 0 : i32
    %dma_start3A_59 = arith.constant 0 : i32
    %dma_start3A_60 = tpu.memref_slice %arg4[%dma_start3A_58, %dma_start3A_59] : memref<50048x128xf32, #tpu.memory_space<hbm>> -> memref<50048x128xf32, #tpu.memory_space<hbm>>
    tpu.enqueue_indirect_dma source(%dma_start3A_60 : memref<50048x128xf32, #tpu.memory_space<hbm>>) target(%arg14 : memref<128x128xf32, #tpu.memory_space<vmem>>) offsets(%dma_start3A_57 : memref<128xi32, #tpu.memory_space<vmem>>) semaphore(%arg22 : memref<!tpu.dma_semaphore, #tpu.memory_space<semaphore_mem>>)
    %dma_start3A_61 = arith.constant 256 : i32
    %dma_start3A_62 = tpu.memref_slice %arg12[%dma_start3A_61] : memref<512xi32, #tpu.memory_space<vmem>> -> memref<128xi32, #tpu.memory_space<vmem>>
    %dma_start3A_63 = arith.constant 0 : i32
    %dma_start3A_64 = arith.constant 0 : i32
    %dma_start3A_65 = tpu.memref_slice %arg5[%dma_start3A_63, %dma_start3A_64] : memref<50048x128xf32, #tpu.memory_space<hbm>> -> memref<50048x128xf32, #tpu.memory_space<hbm>>
    tpu.enqueue_indirect_dma source(%dma_start3A_65 : memref<50048x128xf32, #tpu.memory_space<hbm>>) target(%arg16 : memref<128x128xf32, #tpu.memory_space<vmem>>) offsets(%dma_start3A_62 : memref<128xi32, #tpu.memory_space<vmem>>) semaphore(%arg22 : memref<!tpu.dma_semaphore, #tpu.memory_space<semaphore_mem>>)
    %dma_wait3A_66 = arith.constant 128 : i32
    %dma_wait3A_67 = tpu.memref_slice %arg11[%dma_wait3A_66] : memref<512xi32, #tpu.memory_space<vmem>> -> memref<128xi32, #tpu.memory_space<vmem>>
    %dma_wait3A_68 = arith.constant 0 : i32
    %dma_wait3A_69 = arith.constant 0 : i32
    %dma_wait3A_70 = tpu.memref_slice %arg4[%dma_wait3A_68, %dma_wait3A_69] : memref<50048x128xf32, #tpu.memory_space<hbm>> -> memref<50048x128xf32, #tpu.memory_space<hbm>>
    tpu.wait_indirect_dma semaphore(%arg23 : memref<!tpu.dma_semaphore, #tpu.memory_space<semaphore_mem>>) src(%dma_wait3A_70 : memref<50048x128xf32, #tpu.memory_space<hbm>>) dst(%arg15 : memref<128x128xf32, #tpu.memory_space<vmem>>)
    %dma_wait3A_71 = arith.constant 128 : i32
    %dma_wait3A_72 = tpu.memref_slice %arg12[%dma_wait3A_71] : memref<512xi32, #tpu.memory_space<vmem>> -> memref<128xi32, #tpu.memory_space<vmem>>
    %dma_wait3A_73 = arith.constant 0 : i32
    %dma_wait3A_74 = arith.constant 0 : i32
    %dma_wait3A_75 = tpu.memref_slice %arg5[%dma_wait3A_73, %dma_wait3A_74] : memref<50048x128xf32, #tpu.memory_space<hbm>> -> memref<50048x128xf32, #tpu.memory_space<hbm>>
    tpu.wait_indirect_dma semaphore(%arg23 : memref<!tpu.dma_semaphore, #tpu.memory_space<semaphore_mem>>) src(%dma_wait3A_75 : memref<50048x128xf32, #tpu.memory_space<hbm>>) dst(%arg17 : memref<128x128xf32, #tpu.memory_space<vmem>>)
    %scan3A_76 = arith.constant 0 : i32
    %scan3A_77 = arith.constant 0 : i32
    %scan3A_78 = arith.constant 128 : i32
    %scan3A_79 = arith.addi %scan3A_77, %scan3A_78 : i32
    %scan3A_80 = arith.constant 1 : i32
    scf.for %scan3A_142 = %scan3A_77 to %scan3A_79 step %scan3A_80  : i32 {
      %get3A = arith.index_cast %scan3A_142 : i32 to index
      %get3A_143 = arith.constant 0 : index
      %get3A_144 = tpu.vector_load %arg15[%get3A, %get3A_143] {strides = array<i32>} : memref<128x128xf32, #tpu.memory_space<vmem>>, vector<16xf32>,
      %get3A_145 = arith.index_cast %scan3A_142 : i32 to index
      %get3A_146 = arith.constant 16 : index
      %get3A_147 = tpu.vector_load %arg15[%get3A_145, %get3A_146] {strides = array<i32>} : memref<128x128xf32, #tpu.memory_space<vmem>>, vector<16xf32>,
      %get3A_148 = arith.index_cast %scan3A_142 : i32 to index
      %get3A_149 = arith.constant 32 : index
      %get3A_150 = tpu.vector_load %arg15[%get3A_148, %get3A_149] {strides = array<i32>} : memref<128x128xf32, #tpu.memory_space<vmem>>, vector<16xf32>,
      %get3A_151 = arith.index_cast %scan3A_142 : i32 to index
      %get3A_152 = arith.constant 48 : index
      %get3A_153 = tpu.vector_load %arg15[%get3A_151, %get3A_152] {strides = array<i32>} : memref<128x128xf32, #tpu.memory_space<vmem>>, vector<16xf32>,
      %get3A_154 = arith.index_cast %scan3A_142 : i32 to index
      %get3A_155 = arith.constant 64 : index
      %get3A_156 = tpu.vector_load %arg15[%get3A_154, %get3A_155] {strides = array<i32>} : memref<128x128xf32, #tpu.memory_space<vmem>>, vector<16xf32>,
      %get3A_157 = arith.index_cast %scan3A_142 : i32 to index
      %get3A_158 = arith.constant 80 : index
      %get3A_159 = tpu.vector_load %arg15[%get3A_157, %get3A_158] {strides = array<i32>} : memref<128x128xf32, #tpu.memory_space<vmem>>, vector<16xf32>,
      %get3A_160 = arith.index_cast %scan3A_142 : i32 to index
      %get3A_161 = arith.constant 96 : index
      %get3A_162 = tpu.vector_load %arg15[%get3A_160, %get3A_161] {strides = array<i32>} : memref<128x128xf32, #tpu.memory_space<vmem>>, vector<16xf32>,
      %get3A_163 = arith.index_cast %scan3A_142 : i32 to index
      %get3A_164 = arith.constant 112 : index
      %get3A_165 = tpu.vector_load %arg15[%get3A_163, %get3A_164] {strides = array<i32>} : memref<128x128xf32, #tpu.memory_space<vmem>>, vector<16xf32>,
      %get3A_166 = arith.index_cast %scan3A_142 : i32 to index
      %get3A_167 = arith.constant 0 : index
      %get3A_168 = tpu.vector_load %arg17[%get3A_166, %get3A_167] {strides = array<i32>} : memref<128x128xf32, #tpu.memory_space<vmem>>, vector<16xf32>,
      %get3A_169 = arith.index_cast %scan3A_142 : i32 to index
      %get3A_170 = arith.constant 16 : index
      %get3A_171 = tpu.vector_load %arg17[%get3A_169, %get3A_170] {strides = array<i32>} : memref<128x128xf32, #tpu.memory_space<vmem>>, vector<16xf32>,
      %get3A_172 = arith.index_cast %scan3A_142 : i32 to index
      %get3A_173 = arith.constant 32 : index
      %get3A_174 = tpu.vector_load %arg17[%get3A_172, %get3A_173] {strides = array<i32>} : memref<128x128xf32, #tpu.memory_space<vmem>>, vector<16xf32>,
      %get3A_175 = arith.index_cast %scan3A_142 : i32 to index
      %get3A_176 = arith.constant 48 : index
      %get3A_177 = tpu.vector_load %arg17[%get3A_175, %get3A_176] {strides = array<i32>} : memref<128x128xf32, #tpu.memory_space<vmem>>, vector<16xf32>,
      %get3A_178 = arith.index_cast %scan3A_142 : i32 to index
      %get3A_179 = arith.constant 64 : index
      %get3A_180 = tpu.vector_load %arg17[%get3A_178, %get3A_179] {strides = array<i32>} : memref<128x128xf32, #tpu.memory_space<vmem>>, vector<16xf32>,
      %get3A_181 = arith.index_cast %scan3A_142 : i32 to index
      %get3A_182 = arith.constant 80 : index
      %get3A_183 = tpu.vector_load %arg17[%get3A_181, %get3A_182] {strides = array<i32>} : memref<128x128xf32, #tpu.memory_space<vmem>>, vector<16xf32>,
      %get3A_184 = arith.index_cast %scan3A_142 : i32 to index
      %get3A_185 = arith.constant 96 : index
      %get3A_186 = tpu.vector_load %arg17[%get3A_184, %get3A_185] {strides = array<i32>} : memref<128x128xf32, #tpu.memory_space<vmem>>, vector<16xf32>,
      %get3A_187 = arith.index_cast %scan3A_142 : i32 to index
      %get3A_188 = arith.constant 112 : index
      %get3A_189 = tpu.vector_load %arg17[%get3A_187, %get3A_188] {strides = array<i32>} : memref<128x128xf32, #tpu.memory_space<vmem>>, vector<16xf32>,
      %mul3A_190 = arith.mulf %get3A_144, %get3A_168 : vector<16xf32>
      %mul3A_191 = arith.mulf %get3A_144, %get3A_180 : vector<16xf32>
      %mul3A_192 = arith.mulf %get3A_156, %get3A_168 : vector<16xf32>
      %mul3A_193 = arith.mulf %get3A_156, %get3A_180 : vector<16xf32>
      %mul3A_194 = arith.mulf %get3A_147, %get3A_171 : vector<16xf32>
      %add3A_195 = arith.addf %mul3A_190, %mul3A_194 : vector<16xf32>
      %mul3A_196 = arith.mulf %get3A_147, %get3A_183 : vector<16xf32>
      %add3A_197 = arith.addf %mul3A_191, %mul3A_196 : vector<16xf32>
      %mul3A_198 = arith.mulf %get3A_159, %get3A_171 : vector<16xf32>
      %add3A_199 = arith.addf %mul3A_192, %mul3A_198 : vector<16xf32>
      %mul3A_200 = arith.mulf %get3A_159, %get3A_183 : vector<16xf32>
      %add3A_201 = arith.addf %mul3A_193, %mul3A_200 : vector<16xf32>
      %mul3A_202 = arith.mulf %get3A_150, %get3A_174 : vector<16xf32>
      %add3A_203 = arith.addf %add3A_195, %mul3A_202 : vector<16xf32>
      %mul3A_204 = arith.mulf %get3A_150, %get3A_186 : vector<16xf32>
      %add3A_205 = arith.addf %add3A_197, %mul3A_204 : vector<16xf32>
      %mul3A_206 = arith.mulf %get3A_162, %get3A_174 : vector<16xf32>
      %add3A_207 = arith.addf %add3A_199, %mul3A_206 : vector<16xf32>
      %mul3A_208 = arith.mulf %get3A_162, %get3A_186 : vector<16xf32>
      %add3A_209 = arith.addf %add3A_201, %mul3A_208 : vector<16xf32>
      %mul3A_210 = arith.mulf %get3A_153, %get3A_177 : vector<16xf32>
      %add3A_211 = arith.addf %add3A_203, %mul3A_210 : vector<16xf32>
      %mul3A_212 = arith.mulf %get3A_153, %get3A_189 : vector<16xf32>
      %add3A_213 = arith.addf %add3A_205, %mul3A_212 : vector<16xf32>
      %mul3A_214 = arith.mulf %get3A_165, %get3A_177 : vector<16xf32>
      %add3A_215 = arith.addf %add3A_207, %mul3A_214 : vector<16xf32>
      %mul3A_216 = arith.mulf %get3A_165, %get3A_189 : vector<16xf32>
      %add3A_217 = arith.addf %add3A_209, %mul3A_216 : vector<16xf32>
      %mul3A_218 = arith.constant 16 : i32
      %mul3A_219 = arith.muli %scan3A_142, %mul3A_218 : i32
      %multiple_of3A = tpu.assume_multiple %mul3A_219, 16 : i32
      %swap3A = arith.index_cast %multiple_of3A : i32 to index
      %swap3A_220 = tpu.vector_load %arg20[%swap3A] {strides = array<i32>} : memref<8192xf32, #tpu.memory_space<vmem>>, vector<16xf32>,
      tpu.vector_store %arg20[%swap3A], %add3A_211 {strides = array<i32>} : memref<8192xf32, #tpu.memory_space<vmem>>, vector<16xf32>,
      %add3A_221 = arith.constant 2048 : i32
      %add3A_222 = arith.addi %multiple_of3A, %add3A_221 : i32
      %swap3A_223 = arith.index_cast %add3A_222 : i32 to index
      %swap3A_224 = tpu.vector_load %arg20[%swap3A_223] {strides = array<i32>} : memref<8192xf32, #tpu.memory_space<vmem>>, vector<16xf32>,
      tpu.vector_store %arg20[%swap3A_223], %add3A_213 {strides = array<i32>} : memref<8192xf32, #tpu.memory_space<vmem>>, vector<16xf32>,
      %add3A_225 = arith.constant 4096 : i32
      %add3A_226 = arith.addi %multiple_of3A, %add3A_225 : i32
      %swap3A_227 = arith.index_cast %add3A_226 : i32 to index
      %swap3A_228 = tpu.vector_load %arg20[%swap3A_227] {strides = array<i32>} : memref<8192xf32, #tpu.memory_space<vmem>>, vector<16xf32>,
      tpu.vector_store %arg20[%swap3A_227], %add3A_215 {strides = array<i32>} : memref<8192xf32, #tpu.memory_space<vmem>>, vector<16xf32>,
      %add3A_229 = arith.constant 6144 : i32
      %add3A_230 = arith.addi %multiple_of3A, %add3A_229 : i32
      %swap3A_231 = arith.index_cast %add3A_230 : i32 to index
      %swap3A_232 = tpu.vector_load %arg20[%swap3A_231] {strides = array<i32>} : memref<8192xf32, #tpu.memory_space<vmem>>, vector<16xf32>,
      tpu.vector_store %arg20[%swap3A_231], %add3A_217 {strides = array<i32>} : memref<8192xf32, #tpu.memory_space<vmem>>, vector<16xf32>,
    }
    %scan3A_81 = arith.constant 128 : i32
    %scan3A_82 = arith.constant 0 : i32
    %scan3A_83 = arith.constant 0 : i32
    %scan3A_84 = arith.constant 8 : i32
    %scan3A_85 = arith.addi %scan3A_83, %scan3A_84 : i32
    %scan3A_86 = arith.constant 1 : i32
    scf.for %scan3A_142 = %scan3A_83 to %scan3A_85 step %scan3A_86  : i32 {
      %mul3A_143 = arith.constant 16 : i32
      %mul3A_144 = arith.muli %scan3A_142, %mul3A_143 : i32
      %add3A_145 = arith.constant 128 : i32
      %add3A_146 = arith.addi %add3A_145, %mul3A_144 : i32
      %get3A = arith.index_cast %add3A_146 : i32 to index
      %get3A_147 = tpu.vector_load %arg13[%get3A] {strides = array<i32>} : memref<512xi32, #tpu.memory_space<vmem>>, vector<16xi32>,
      %mul3A_148 = arith.constant 2048 : i32
      %mul3A_149 = vector.broadcast %mul3A_148 : i32 to vector<16xi32>
      %mul3A_150 = arith.muli %get3A_147, %mul3A_149 : vector<16xi32>
      %mul3A_151 = arith.constant 256 : i32
      %mul3A_152 = arith.muli %scan3A_142, %mul3A_151 : i32
      %add3A_153 = vector.broadcast %mul3A_152 : i32 to vector<16xi32>
      %add3A_154 = arith.addi %mul3A_150, %add3A_153 : vector<16xi32>
      %mul3A_155 = arith.constant 16 : i32
      %mul3A_156 = vector.broadcast %mul3A_155 : i32 to vector<16xi32>
      %mul3A_157 = arith.muli %iota3A, %mul3A_156 : vector<16xi32>
      %add3A_158 = arith.addi %add3A_154, %mul3A_157 : vector<16xi32>
      %gather3A = tpu.vector_load_idx %arg20[%add3A_158] : memref<8192xf32, #tpu.memory_space<vmem>>[vector<16xi32>], vector<16xf32>,
      %add3A_159 = arith.constant 1 : i32
      %add3A_160 = vector.broadcast %add3A_159 : i32 to vector<16xi32>
      %add3A_161 = arith.addi %add3A_158, %add3A_160 : vector<16xi32>
      %gather3A_162 = tpu.vector_load_idx %arg20[%add3A_161] : memref<8192xf32, #tpu.memory_space<vmem>>[vector<16xi32>], vector<16xf32>,
      %add3A_163 = arith.addf %gather3A, %gather3A_162 : vector<16xf32>
      %add3A_164 = arith.constant 2 : i32
      %add3A_165 = vector.broadcast %add3A_164 : i32 to vector<16xi32>
      %add3A_166 = arith.addi %add3A_158, %add3A_165 : vector<16xi32>
      %gather3A_167 = tpu.vector_load_idx %arg20[%add3A_166] : memref<8192xf32, #tpu.memory_space<vmem>>[vector<16xi32>], vector<16xf32>,
      %add3A_168 = arith.addf %add3A_163, %gather3A_167 : vector<16xf32>
      %add3A_169 = arith.constant 3 : i32
      %add3A_170 = vector.broadcast %add3A_169 : i32 to vector<16xi32>
      %add3A_171 = arith.addi %add3A_158, %add3A_170 : vector<16xi32>
      %gather3A_172 = tpu.vector_load_idx %arg20[%add3A_171] : memref<8192xf32, #tpu.memory_space<vmem>>[vector<16xi32>], vector<16xf32>,
      %add3A_173 = arith.addf %add3A_168, %gather3A_172 : vector<16xf32>
      %add3A_174 = arith.constant 4 : i32
      %add3A_175 = vector.broadcast %add3A_174 : i32 to vector<16xi32>
      %add3A_176 = arith.addi %add3A_158, %add3A_175 : vector<16xi32>
      %gather3A_177 = tpu.vector_load_idx %arg20[%add3A_176] : memref<8192xf32, #tpu.memory_space<vmem>>[vector<16xi32>], vector<16xf32>,
      %add3A_178 = arith.addf %add3A_173, %gather3A_177 : vector<16xf32>
      %add3A_179 = arith.constant 5 : i32
      %add3A_180 = vector.broadcast %add3A_179 : i32 to vector<16xi32>
      %add3A_181 = arith.addi %add3A_158, %add3A_180 : vector<16xi32>
      %gather3A_182 = tpu.vector_load_idx %arg20[%add3A_181] : memref<8192xf32, #tpu.memory_space<vmem>>[vector<16xi32>], vector<16xf32>,
      %add3A_183 = arith.addf %add3A_178, %gather3A_182 : vector<16xf32>
      %add3A_184 = arith.constant 6 : i32
      %add3A_185 = vector.broadcast %add3A_184 : i32 to vector<16xi32>
      %add3A_186 = arith.addi %add3A_158, %add3A_185 : vector<16xi32>
      %gather3A_187 = tpu.vector_load_idx %arg20[%add3A_186] : memref<8192xf32, #tpu.memory_space<vmem>>[vector<16xi32>], vector<16xf32>,
      %add3A_188 = arith.addf %add3A_183, %gather3A_187 : vector<16xf32>
      %add3A_189 = arith.constant 7 : i32
      %add3A_190 = vector.broadcast %add3A_189 : i32 to vector<16xi32>
      %add3A_191 = arith.addi %add3A_158, %add3A_190 : vector<16xi32>
      %gather3A_192 = tpu.vector_load_idx %arg20[%add3A_191] : memref<8192xf32, #tpu.memory_space<vmem>>[vector<16xi32>], vector<16xf32>,
      %add3A_193 = arith.addf %add3A_188, %gather3A_192 : vector<16xf32>
      %add3A_194 = arith.constant 8 : i32
      %add3A_195 = vector.broadcast %add3A_194 : i32 to vector<16xi32>
      %add3A_196 = arith.addi %add3A_158, %add3A_195 : vector<16xi32>
      %gather3A_197 = tpu.vector_load_idx %arg20[%add3A_196] : memref<8192xf32, #tpu.memory_space<vmem>>[vector<16xi32>], vector<16xf32>,
      %add3A_198 = arith.addf %add3A_193, %gather3A_197 : vector<16xf32>
      %add3A_199 = arith.constant 9 : i32
      %add3A_200 = vector.broadcast %add3A_199 : i32 to vector<16xi32>
      %add3A_201 = arith.addi %add3A_158, %add3A_200 : vector<16xi32>
      %gather3A_202 = tpu.vector_load_idx %arg20[%add3A_201] : memref<8192xf32, #tpu.memory_space<vmem>>[vector<16xi32>], vector<16xf32>,
      %add3A_203 = arith.addf %add3A_198, %gather3A_202 : vector<16xf32>
      %add3A_204 = arith.constant 10 : i32
      %add3A_205 = vector.broadcast %add3A_204 : i32 to vector<16xi32>
      %add3A_206 = arith.addi %add3A_158, %add3A_205 : vector<16xi32>
      %gather3A_207 = tpu.vector_load_idx %arg20[%add3A_206] : memref<8192xf32, #tpu.memory_space<vmem>>[vector<16xi32>], vector<16xf32>,
      %add3A_208 = arith.addf %add3A_203, %gather3A_207 : vector<16xf32>
      %add3A_209 = arith.constant 11 : i32
      %add3A_210 = vector.broadcast %add3A_209 : i32 to vector<16xi32>
      %add3A_211 = arith.addi %add3A_158, %add3A_210 : vector<16xi32>
      %gather3A_212 = tpu.vector_load_idx %arg20[%add3A_211] : memref<8192xf32, #tpu.memory_space<vmem>>[vector<16xi32>], vector<16xf32>,
      %add3A_213 = arith.addf %add3A_208, %gather3A_212 : vector<16xf32>
      %add3A_214 = arith.constant 12 : i32
      %add3A_215 = vector.broadcast %add3A_214 : i32 to vector<16xi32>
      %add3A_216 = arith.addi %add3A_158, %add3A_215 : vector<16xi32>
      %gather3A_217 = tpu.vector_load_idx %arg20[%add3A_216] : memref<8192xf32, #tpu.memory_space<vmem>>[vector<16xi32>], vector<16xf32>,
      %add3A_218 = arith.addf %add3A_213, %gather3A_217 : vector<16xf32>
      %add3A_219 = arith.constant 13 : i32
      %add3A_220 = vector.broadcast %add3A_219 : i32 to vector<16xi32>
      %add3A_221 = arith.addi %add3A_158, %add3A_220 : vector<16xi32>
      %gather3A_222 = tpu.vector_load_idx %arg20[%add3A_221] : memref<8192xf32, #tpu.memory_space<vmem>>[vector<16xi32>], vector<16xf32>,
      %add3A_223 = arith.addf %add3A_218, %gather3A_222 : vector<16xf32>
      %add3A_224 = arith.constant 14 : i32
      %add3A_225 = vector.broadcast %add3A_224 : i32 to vector<16xi32>
      %add3A_226 = arith.addi %add3A_158, %add3A_225 : vector<16xi32>
      %gather3A_227 = tpu.vector_load_idx %arg20[%add3A_226] : memref<8192xf32, #tpu.memory_space<vmem>>[vector<16xi32>], vector<16xf32>,
      %add3A_228 = arith.addf %add3A_223, %gather3A_227 : vector<16xf32>
      %add3A_229 = arith.constant 15 : i32
      %add3A_230 = vector.broadcast %add3A_229 : i32 to vector<16xi32>
      %add3A_231 = arith.addi %add3A_158, %add3A_230 : vector<16xi32>
      %gather3A_232 = tpu.vector_load_idx %arg20[%add3A_231] : memref<8192xf32, #tpu.memory_space<vmem>>[vector<16xi32>], vector<16xf32>,
      %add3A_233 = arith.addf %add3A_228, %gather3A_232 : vector<16xf32>
      %get3A_234 = arith.index_cast %add3A_146 : i32 to index
      %get3A_235 = tpu.vector_load %arg18[%get3A_234] {strides = array<i32>} : memref<512xf32, #tpu.memory_space<vmem>>, vector<16xf32>,
      %add3A_236 = arith.addf %add3A_233, %get3A_235 : vector<16xf32>
      %get3A_237 = arith.index_cast %add3A_146 : i32 to index
      %get3A_238 = tpu.vector_load %arg19[%get3A_237] {strides = array<i32>} : memref<512xf32, #tpu.memory_space<vmem>>, vector<16xf32>,
      %add3A_239 = arith.addf %add3A_236, %get3A_238 : vector<16xf32>
      %swap3A = arith.index_cast %add3A_146 : i32 to index
      %swap3A_240 = tpu.vector_load %arg21[%swap3A] {strides = array<i32>} : memref<512xf32, #tpu.memory_space<vmem>>, vector<16xf32>,
      tpu.vector_store %arg21[%swap3A], %add3A_239 {strides = array<i32>} : memref<512xf32, #tpu.memory_space<vmem>>, vector<16xf32>,
    }
    %scan3A_87 = arith.constant 8 : i32
    %dma_start3A_88 = arith.constant 384 : i32
    %dma_start3A_89 = tpu.memref_slice %arg11[%dma_start3A_88] : memref<512xi32, #tpu.memory_space<vmem>> -> memref<128xi32, #tpu.memory_space<vmem>>
    %dma_start3A_90 = arith.constant 0 : i32
    %dma_start3A_91 = arith.constant 0 : i32
    %dma_start3A_92 = tpu.memref_slice %arg4[%dma_start3A_90, %dma_start3A_91] : memref<50048x128xf32, #tpu.memory_space<hbm>> -> memref<50048x128xf32, #tpu.memory_space<hbm>>
    tpu.enqueue_indirect_dma source(%dma_start3A_92 : memref<50048x128xf32, #tpu.memory_space<hbm>>) target(%arg15 : memref<128x128xf32, #tpu.memory_space<vmem>>) offsets(%dma_start3A_89 : memref<128xi32, #tpu.memory_space<vmem>>) semaphore(%arg23 : memref<!tpu.dma_semaphore, #tpu.memory_space<semaphore_mem>>)
    %dma_start3A_93 = arith.constant 384 : i32
    %dma_start3A_94 = tpu.memref_slice %arg12[%dma_start3A_93] : memref<512xi32, #tpu.memory_space<vmem>> -> memref<128xi32, #tpu.memory_space<vmem>>
    %dma_start3A_95 = arith.constant 0 : i32
    %dma_start3A_96 = arith.constant 0 : i32
    %dma_start3A_97 = tpu.memref_slice %arg5[%dma_start3A_95, %dma_start3A_96] : memref<50048x128xf32, #tpu.memory_space<hbm>> -> memref<50048x128xf32, #tpu.memory_space<hbm>>
    tpu.enqueue_indirect_dma source(%dma_start3A_97 : memref<50048x128xf32, #tpu.memory_space<hbm>>) target(%arg17 : memref<128x128xf32, #tpu.memory_space<vmem>>) offsets(%dma_start3A_94 : memref<128xi32, #tpu.memory_space<vmem>>) semaphore(%arg23 : memref<!tpu.dma_semaphore, #tpu.memory_space<semaphore_mem>>)
    %dma_wait3A_98 = arith.constant 256 : i32
    %dma_wait3A_99 = tpu.memref_slice %arg11[%dma_wait3A_98] : memref<512xi32, #tpu.memory_space<vmem>> -> memref<128xi32, #tpu.memory_space<vmem>>
    %dma_wait3A_100 = arith.constant 0 : i32
    %dma_wait3A_101 = arith.constant 0 : i32
    %dma_wait3A_102 = tpu.memref_slice %arg4[%dma_wait3A_100, %dma_wait3A_101] : memref<50048x128xf32, #tpu.memory_space<hbm>> -> memref<50048x128xf32, #tpu.memory_space<hbm>>
    tpu.wait_indirect_dma semaphore(%arg22 : memref<!tpu.dma_semaphore, #tpu.memory_space<semaphore_mem>>) src(%dma_wait3A_102 : memref<50048x128xf32, #tpu.memory_space<hbm>>) dst(%arg14 : memref<128x128xf32, #tpu.memory_space<vmem>>)
    %dma_wait3A_103 = arith.constant 256 : i32
    %dma_wait3A_104 = tpu.memref_slice %arg12[%dma_wait3A_103] : memref<512xi32, #tpu.memory_space<vmem>> -> memref<128xi32, #tpu.memory_space<vmem>>
    %dma_wait3A_105 = arith.constant 0 : i32
    %dma_wait3A_106 = arith.constant 0 : i32
    %dma_wait3A_107 = tpu.memref_slice %arg5[%dma_wait3A_105, %dma_wait3A_106] : memref<50048x128xf32, #tpu.memory_space<hbm>> -> memref<50048x128xf32, #tpu.memory_space<hbm>>
    tpu.wait_indirect_dma semaphore(%arg22 : memref<!tpu.dma_semaphore, #tpu.memory_space<semaphore_mem>>) src(%dma_wait3A_107 : memref<50048x128xf32, #tpu.memory_space<hbm>>) dst(%arg16 : memref<128x128xf32, #tpu.memory_space<vmem>>)
    %scan3A_108 = arith.constant 0 : i32
    %scan3A_109 = arith.constant 0 : i32
    %scan3A_110 = arith.constant 128 : i32
    %scan3A_111 = arith.addi %scan3A_109, %scan3A_110 : i32
    %scan3A_112 = arith.constant 1 : i32
    scf.for %scan3A_142 = %scan3A_109 to %scan3A_111 step %scan3A_112  : i32 {
      %get3A = arith.index_cast %scan3A_142 : i32 to index
      %get3A_143 = arith.constant 0 : index
      %get3A_144 = tpu.vector_load %arg14[%get3A, %get3A_143] {strides = array<i32>} : memref<128x128xf32, #tpu.memory_space<vmem>>, vector<16xf32>,
      %get3A_145 = arith.index_cast %scan3A_142 : i32 to index
      %get3A_146 = arith.constant 16 : index
      %get3A_147 = tpu.vector_load %arg14[%get3A_145, %get3A_146] {strides = array<i32>} : memref<128x128xf32, #tpu.memory_space<vmem>>, vector<16xf32>,
      %get3A_148 = arith.index_cast %scan3A_142 : i32 to index
      %get3A_149 = arith.constant 32 : index
      %get3A_150 = tpu.vector_load %arg14[%get3A_148, %get3A_149] {strides = array<i32>} : memref<128x128xf32, #tpu.memory_space<vmem>>, vector<16xf32>,
      %get3A_151 = arith.index_cast %scan3A_142 : i32 to index
      %get3A_152 = arith.constant 48 : index
      %get3A_153 = tpu.vector_load %arg14[%get3A_151, %get3A_152] {strides = array<i32>} : memref<128x128xf32, #tpu.memory_space<vmem>>, vector<16xf32>,
      %get3A_154 = arith.index_cast %scan3A_142 : i32 to index
      %get3A_155 = arith.constant 64 : index
      %get3A_156 = tpu.vector_load %arg14[%get3A_154, %get3A_155] {strides = array<i32>} : memref<128x128xf32, #tpu.memory_space<vmem>>, vector<16xf32>,
      %get3A_157 = arith.index_cast %scan3A_142 : i32 to index
      %get3A_158 = arith.constant 80 : index
      %get3A_159 = tpu.vector_load %arg14[%get3A_157, %get3A_158] {strides = array<i32>} : memref<128x128xf32, #tpu.memory_space<vmem>>, vector<16xf32>,
      %get3A_160 = arith.index_cast %scan3A_142 : i32 to index
      %get3A_161 = arith.constant 96 : index
      %get3A_162 = tpu.vector_load %arg14[%get3A_160, %get3A_161] {strides = array<i32>} : memref<128x128xf32, #tpu.memory_space<vmem>>, vector<16xf32>,
      %get3A_163 = arith.index_cast %scan3A_142 : i32 to index
      %get3A_164 = arith.constant 112 : index
      %get3A_165 = tpu.vector_load %arg14[%get3A_163, %get3A_164] {strides = array<i32>} : memref<128x128xf32, #tpu.memory_space<vmem>>, vector<16xf32>,
      %get3A_166 = arith.index_cast %scan3A_142 : i32 to index
      %get3A_167 = arith.constant 0 : index
      %get3A_168 = tpu.vector_load %arg16[%get3A_166, %get3A_167] {strides = array<i32>} : memref<128x128xf32, #tpu.memory_space<vmem>>, vector<16xf32>,
      %get3A_169 = arith.index_cast %scan3A_142 : i32 to index
      %get3A_170 = arith.constant 16 : index
      %get3A_171 = tpu.vector_load %arg16[%get3A_169, %get3A_170] {strides = array<i32>} : memref<128x128xf32, #tpu.memory_space<vmem>>, vector<16xf32>,
      %get3A_172 = arith.index_cast %scan3A_142 : i32 to index
      %get3A_173 = arith.constant 32 : index
      %get3A_174 = tpu.vector_load %arg16[%get3A_172, %get3A_173] {strides = array<i32>} : memref<128x128xf32, #tpu.memory_space<vmem>>, vector<16xf32>,
      %get3A_175 = arith.index_cast %scan3A_142 : i32 to index
      %get3A_176 = arith.constant 48 : index
      %get3A_177 = tpu.vector_load %arg16[%get3A_175, %get3A_176] {strides = array<i32>} : memref<128x128xf32, #tpu.memory_space<vmem>>, vector<16xf32>,
      %get3A_178 = arith.index_cast %scan3A_142 : i32 to index
      %get3A_179 = arith.constant 64 : index
      %get3A_180 = tpu.vector_load %arg16[%get3A_178, %get3A_179] {strides = array<i32>} : memref<128x128xf32, #tpu.memory_space<vmem>>, vector<16xf32>,
      %get3A_181 = arith.index_cast %scan3A_142 : i32 to index
      %get3A_182 = arith.constant 80 : index
      %get3A_183 = tpu.vector_load %arg16[%get3A_181, %get3A_182] {strides = array<i32>} : memref<128x128xf32, #tpu.memory_space<vmem>>, vector<16xf32>,
      %get3A_184 = arith.index_cast %scan3A_142 : i32 to index
      %get3A_185 = arith.constant 96 : index
      %get3A_186 = tpu.vector_load %arg16[%get3A_184, %get3A_185] {strides = array<i32>} : memref<128x128xf32, #tpu.memory_space<vmem>>, vector<16xf32>,
      %get3A_187 = arith.index_cast %scan3A_142 : i32 to index
      %get3A_188 = arith.constant 112 : index
      %get3A_189 = tpu.vector_load %arg16[%get3A_187, %get3A_188] {strides = array<i32>} : memref<128x128xf32, #tpu.memory_space<vmem>>, vector<16xf32>,
      %mul3A_190 = arith.mulf %get3A_144, %get3A_168 : vector<16xf32>
      %mul3A_191 = arith.mulf %get3A_144, %get3A_180 : vector<16xf32>
      %mul3A_192 = arith.mulf %get3A_156, %get3A_168 : vector<16xf32>
      %mul3A_193 = arith.mulf %get3A_156, %get3A_180 : vector<16xf32>
      %mul3A_194 = arith.mulf %get3A_147, %get3A_171 : vector<16xf32>
      %add3A_195 = arith.addf %mul3A_190, %mul3A_194 : vector<16xf32>
      %mul3A_196 = arith.mulf %get3A_147, %get3A_183 : vector<16xf32>
      %add3A_197 = arith.addf %mul3A_191, %mul3A_196 : vector<16xf32>
      %mul3A_198 = arith.mulf %get3A_159, %get3A_171 : vector<16xf32>
      %add3A_199 = arith.addf %mul3A_192, %mul3A_198 : vector<16xf32>
      %mul3A_200 = arith.mulf %get3A_159, %get3A_183 : vector<16xf32>
      %add3A_201 = arith.addf %mul3A_193, %mul3A_200 : vector<16xf32>
      %mul3A_202 = arith.mulf %get3A_150, %get3A_174 : vector<16xf32>
      %add3A_203 = arith.addf %add3A_195, %mul3A_202 : vector<16xf32>
      %mul3A_204 = arith.mulf %get3A_150, %get3A_186 : vector<16xf32>
      %add3A_205 = arith.addf %add3A_197, %mul3A_204 : vector<16xf32>
      %mul3A_206 = arith.mulf %get3A_162, %get3A_174 : vector<16xf32>
      %add3A_207 = arith.addf %add3A_199, %mul3A_206 : vector<16xf32>
      %mul3A_208 = arith.mulf %get3A_162, %get3A_186 : vector<16xf32>
      %add3A_209 = arith.addf %add3A_201, %mul3A_208 : vector<16xf32>
      %mul3A_210 = arith.mulf %get3A_153, %get3A_177 : vector<16xf32>
      %add3A_211 = arith.addf %add3A_203, %mul3A_210 : vector<16xf32>
      %mul3A_212 = arith.mulf %get3A_153, %get3A_189 : vector<16xf32>
      %add3A_213 = arith.addf %add3A_205, %mul3A_212 : vector<16xf32>
      %mul3A_214 = arith.mulf %get3A_165, %get3A_177 : vector<16xf32>
      %add3A_215 = arith.addf %add3A_207, %mul3A_214 : vector<16xf32>
      %mul3A_216 = arith.mulf %get3A_165, %get3A_189 : vector<16xf32>
      %add3A_217 = arith.addf %add3A_209, %mul3A_216 : vector<16xf32>
      %mul3A_218 = arith.constant 16 : i32
      %mul3A_219 = arith.muli %scan3A_142, %mul3A_218 : i32
      %multiple_of3A = tpu.assume_multiple %mul3A_219, 16 : i32
      %swap3A = arith.index_cast %multiple_of3A : i32 to index
      %swap3A_220 = tpu.vector_load %arg20[%swap3A] {strides = array<i32>} : memref<8192xf32, #tpu.memory_space<vmem>>, vector<16xf32>,
      tpu.vector_store %arg20[%swap3A], %add3A_211 {strides = array<i32>} : memref<8192xf32, #tpu.memory_space<vmem>>, vector<16xf32>,
      %add3A_221 = arith.constant 2048 : i32
      %add3A_222 = arith.addi %multiple_of3A, %add3A_221 : i32
      %swap3A_223 = arith.index_cast %add3A_222 : i32 to index
      %swap3A_224 = tpu.vector_load %arg20[%swap3A_223] {strides = array<i32>} : memref<8192xf32, #tpu.memory_space<vmem>>, vector<16xf32>,
      tpu.vector_store %arg20[%swap3A_223], %add3A_213 {strides = array<i32>} : memref<8192xf32, #tpu.memory_space<vmem>>, vector<16xf32>,
      %add3A_225 = arith.constant 4096 : i32
      %add3A_226 = arith.addi %multiple_of3A, %add3A_225 : i32
      %swap3A_227 = arith.index_cast %add3A_226 : i32 to index
      %swap3A_228 = tpu.vector_load %arg20[%swap3A_227] {strides = array<i32>} : memref<8192xf32, #tpu.memory_space<vmem>>, vector<16xf32>,
      tpu.vector_store %arg20[%swap3A_227], %add3A_215 {strides = array<i32>} : memref<8192xf32, #tpu.memory_space<vmem>>, vector<16xf32>,
      %add3A_229 = arith.constant 6144 : i32
      %add3A_230 = arith.addi %multiple_of3A, %add3A_229 : i32
      %swap3A_231 = arith.index_cast %add3A_230 : i32 to index
      %swap3A_232 = tpu.vector_load %arg20[%swap3A_231] {strides = array<i32>} : memref<8192xf32, #tpu.memory_space<vmem>>, vector<16xf32>,
      tpu.vector_store %arg20[%swap3A_231], %add3A_217 {strides = array<i32>} : memref<8192xf32, #tpu.memory_space<vmem>>, vector<16xf32>,
    }
    %scan3A_113 = arith.constant 128 : i32
    %scan3A_114 = arith.constant 0 : i32
    %scan3A_115 = arith.constant 0 : i32
    %scan3A_116 = arith.constant 8 : i32
    %scan3A_117 = arith.addi %scan3A_115, %scan3A_116 : i32
    %scan3A_118 = arith.constant 1 : i32
    scf.for %scan3A_142 = %scan3A_115 to %scan3A_117 step %scan3A_118  : i32 {
      %mul3A_143 = arith.constant 16 : i32
      %mul3A_144 = arith.muli %scan3A_142, %mul3A_143 : i32
      %add3A_145 = arith.constant 256 : i32
      %add3A_146 = arith.addi %add3A_145, %mul3A_144 : i32
      %get3A = arith.index_cast %add3A_146 : i32 to index
      %get3A_147 = tpu.vector_load %arg13[%get3A] {strides = array<i32>} : memref<512xi32, #tpu.memory_space<vmem>>, vector<16xi32>,
      %mul3A_148 = arith.constant 2048 : i32
      %mul3A_149 = vector.broadcast %mul3A_148 : i32 to vector<16xi32>
      %mul3A_150 = arith.muli %get3A_147, %mul3A_149 : vector<16xi32>
      %mul3A_151 = arith.constant 256 : i32
      %mul3A_152 = arith.muli %scan3A_142, %mul3A_151 : i32
      %add3A_153 = vector.broadcast %mul3A_152 : i32 to vector<16xi32>
      %add3A_154 = arith.addi %mul3A_150, %add3A_153 : vector<16xi32>
      %mul3A_155 = arith.constant 16 : i32
      %mul3A_156 = vector.broadcast %mul3A_155 : i32 to vector<16xi32>
      %mul3A_157 = arith.muli %iota3A, %mul3A_156 : vector<16xi32>
      %add3A_158 = arith.addi %add3A_154, %mul3A_157 : vector<16xi32>
      %gather3A = tpu.vector_load_idx %arg20[%add3A_158] : memref<8192xf32, #tpu.memory_space<vmem>>[vector<16xi32>], vector<16xf32>,
      %add3A_159 = arith.constant 1 : i32
      %add3A_160 = vector.broadcast %add3A_159 : i32 to vector<16xi32>
      %add3A_161 = arith.addi %add3A_158, %add3A_160 : vector<16xi32>
      %gather3A_162 = tpu.vector_load_idx %arg20[%add3A_161] : memref<8192xf32, #tpu.memory_space<vmem>>[vector<16xi32>], vector<16xf32>,
      %add3A_163 = arith.addf %gather3A, %gather3A_162 : vector<16xf32>
      %add3A_164 = arith.constant 2 : i32
      %add3A_165 = vector.broadcast %add3A_164 : i32 to vector<16xi32>
      %add3A_166 = arith.addi %add3A_158, %add3A_165 : vector<16xi32>
      %gather3A_167 = tpu.vector_load_idx %arg20[%add3A_166] : memref<8192xf32, #tpu.memory_space<vmem>>[vector<16xi32>], vector<16xf32>,
      %add3A_168 = arith.addf %add3A_163, %gather3A_167 : vector<16xf32>
      %add3A_169 = arith.constant 3 : i32
      %add3A_170 = vector.broadcast %add3A_169 : i32 to vector<16xi32>
      %add3A_171 = arith.addi %add3A_158, %add3A_170 : vector<16xi32>
      %gather3A_172 = tpu.vector_load_idx %arg20[%add3A_171] : memref<8192xf32, #tpu.memory_space<vmem>>[vector<16xi32>], vector<16xf32>,
      %add3A_173 = arith.addf %add3A_168, %gather3A_172 : vector<16xf32>
      %add3A_174 = arith.constant 4 : i32
      %add3A_175 = vector.broadcast %add3A_174 : i32 to vector<16xi32>
      %add3A_176 = arith.addi %add3A_158, %add3A_175 : vector<16xi32>
      %gather3A_177 = tpu.vector_load_idx %arg20[%add3A_176] : memref<8192xf32, #tpu.memory_space<vmem>>[vector<16xi32>], vector<16xf32>,
      %add3A_178 = arith.addf %add3A_173, %gather3A_177 : vector<16xf32>
      %add3A_179 = arith.constant 5 : i32
      %add3A_180 = vector.broadcast %add3A_179 : i32 to vector<16xi32>
      %add3A_181 = arith.addi %add3A_158, %add3A_180 : vector<16xi32>
      %gather3A_182 = tpu.vector_load_idx %arg20[%add3A_181] : memref<8192xf32, #tpu.memory_space<vmem>>[vector<16xi32>], vector<16xf32>,
      %add3A_183 = arith.addf %add3A_178, %gather3A_182 : vector<16xf32>
      %add3A_184 = arith.constant 6 : i32
      %add3A_185 = vector.broadcast %add3A_184 : i32 to vector<16xi32>
      %add3A_186 = arith.addi %add3A_158, %add3A_185 : vector<16xi32>
      %gather3A_187 = tpu.vector_load_idx %arg20[%add3A_186] : memref<8192xf32, #tpu.memory_space<vmem>>[vector<16xi32>], vector<16xf32>,
      %add3A_188 = arith.addf %add3A_183, %gather3A_187 : vector<16xf32>
      %add3A_189 = arith.constant 7 : i32
      %add3A_190 = vector.broadcast %add3A_189 : i32 to vector<16xi32>
      %add3A_191 = arith.addi %add3A_158, %add3A_190 : vector<16xi32>
      %gather3A_192 = tpu.vector_load_idx %arg20[%add3A_191] : memref<8192xf32, #tpu.memory_space<vmem>>[vector<16xi32>], vector<16xf32>,
      %add3A_193 = arith.addf %add3A_188, %gather3A_192 : vector<16xf32>
      %add3A_194 = arith.constant 8 : i32
      %add3A_195 = vector.broadcast %add3A_194 : i32 to vector<16xi32>
      %add3A_196 = arith.addi %add3A_158, %add3A_195 : vector<16xi32>
      %gather3A_197 = tpu.vector_load_idx %arg20[%add3A_196] : memref<8192xf32, #tpu.memory_space<vmem>>[vector<16xi32>], vector<16xf32>,
      %add3A_198 = arith.addf %add3A_193, %gather3A_197 : vector<16xf32>
      %add3A_199 = arith.constant 9 : i32
      %add3A_200 = vector.broadcast %add3A_199 : i32 to vector<16xi32>
      %add3A_201 = arith.addi %add3A_158, %add3A_200 : vector<16xi32>
      %gather3A_202 = tpu.vector_load_idx %arg20[%add3A_201] : memref<8192xf32, #tpu.memory_space<vmem>>[vector<16xi32>], vector<16xf32>,
      %add3A_203 = arith.addf %add3A_198, %gather3A_202 : vector<16xf32>
      %add3A_204 = arith.constant 10 : i32
      %add3A_205 = vector.broadcast %add3A_204 : i32 to vector<16xi32>
      %add3A_206 = arith.addi %add3A_158, %add3A_205 : vector<16xi32>
      %gather3A_207 = tpu.vector_load_idx %arg20[%add3A_206] : memref<8192xf32, #tpu.memory_space<vmem>>[vector<16xi32>], vector<16xf32>,
      %add3A_208 = arith.addf %add3A_203, %gather3A_207 : vector<16xf32>
      %add3A_209 = arith.constant 11 : i32
      %add3A_210 = vector.broadcast %add3A_209 : i32 to vector<16xi32>
      %add3A_211 = arith.addi %add3A_158, %add3A_210 : vector<16xi32>
      %gather3A_212 = tpu.vector_load_idx %arg20[%add3A_211] : memref<8192xf32, #tpu.memory_space<vmem>>[vector<16xi32>], vector<16xf32>,
      %add3A_213 = arith.addf %add3A_208, %gather3A_212 : vector<16xf32>
      %add3A_214 = arith.constant 12 : i32
      %add3A_215 = vector.broadcast %add3A_214 : i32 to vector<16xi32>
      %add3A_216 = arith.addi %add3A_158, %add3A_215 : vector<16xi32>
      %gather3A_217 = tpu.vector_load_idx %arg20[%add3A_216] : memref<8192xf32, #tpu.memory_space<vmem>>[vector<16xi32>], vector<16xf32>,
      %add3A_218 = arith.addf %add3A_213, %gather3A_217 : vector<16xf32>
      %add3A_219 = arith.constant 13 : i32
      %add3A_220 = vector.broadcast %add3A_219 : i32 to vector<16xi32>
      %add3A_221 = arith.addi %add3A_158, %add3A_220 : vector<16xi32>
      %gather3A_222 = tpu.vector_load_idx %arg20[%add3A_221] : memref<8192xf32, #tpu.memory_space<vmem>>[vector<16xi32>], vector<16xf32>,
      %add3A_223 = arith.addf %add3A_218, %gather3A_222 : vector<16xf32>
      %add3A_224 = arith.constant 14 : i32
      %add3A_225 = vector.broadcast %add3A_224 : i32 to vector<16xi32>
      %add3A_226 = arith.addi %add3A_158, %add3A_225 : vector<16xi32>
      %gather3A_227 = tpu.vector_load_idx %arg20[%add3A_226] : memref<8192xf32, #tpu.memory_space<vmem>>[vector<16xi32>], vector<16xf32>,
      %add3A_228 = arith.addf %add3A_223, %gather3A_227 : vector<16xf32>
      %add3A_229 = arith.constant 15 : i32
      %add3A_230 = vector.broadcast %add3A_229 : i32 to vector<16xi32>
      %add3A_231 = arith.addi %add3A_158, %add3A_230 : vector<16xi32>
      %gather3A_232 = tpu.vector_load_idx %arg20[%add3A_231] : memref<8192xf32, #tpu.memory_space<vmem>>[vector<16xi32>], vector<16xf32>,
      %add3A_233 = arith.addf %add3A_228, %gather3A_232 : vector<16xf32>
      %get3A_234 = arith.index_cast %add3A_146 : i32 to index
      %get3A_235 = tpu.vector_load %arg18[%get3A_234] {strides = array<i32>} : memref<512xf32, #tpu.memory_space<vmem>>, vector<16xf32>,
      %add3A_236 = arith.addf %add3A_233, %get3A_235 : vector<16xf32>
      %get3A_237 = arith.index_cast %add3A_146 : i32 to index
      %get3A_238 = tpu.vector_load %arg19[%get3A_237] {strides = array<i32>} : memref<512xf32, #tpu.memory_space<vmem>>, vector<16xf32>,
      %add3A_239 = arith.addf %add3A_236, %get3A_238 : vector<16xf32>
      %swap3A = arith.index_cast %add3A_146 : i32 to index
      %swap3A_240 = tpu.vector_load %arg21[%swap3A] {strides = array<i32>} : memref<512xf32, #tpu.memory_space<vmem>>, vector<16xf32>,
      tpu.vector_store %arg21[%swap3A], %add3A_239 {strides = array<i32>} : memref<512xf32, #tpu.memory_space<vmem>>, vector<16xf32>,
    }
    %scan3A_119 = arith.constant 8 : i32
    %dma_wait3A_120 = arith.constant 384 : i32
    %dma_wait3A_121 = tpu.memref_slice %arg11[%dma_wait3A_120] : memref<512xi32, #tpu.memory_space<vmem>> -> memref<128xi32, #tpu.memory_space<vmem>>
    %dma_wait3A_122 = arith.constant 0 : i32
    %dma_wait3A_123 = arith.constant 0 : i32
    %dma_wait3A_124 = tpu.memref_slice %arg4[%dma_wait3A_122, %dma_wait3A_123] : memref<50048x128xf32, #tpu.memory_space<hbm>> -> memref<50048x128xf32, #tpu.memory_space<hbm>>
    tpu.wait_indirect_dma semaphore(%arg23 : memref<!tpu.dma_semaphore, #tpu.memory_space<semaphore_mem>>) src(%dma_wait3A_124 : memref<50048x128xf32, #tpu.memory_space<hbm>>) dst(%arg15 : memref<128x128xf32, #tpu.memory_space<vmem>>)
    %dma_wait3A_125 = arith.constant 384 : i32
    %dma_wait3A_126 = tpu.memref_slice %arg12[%dma_wait3A_125] : memref<512xi32, #tpu.memory_space<vmem>> -> memref<128xi32, #tpu.memory_space<vmem>>
    %dma_wait3A_127 = arith.constant 0 : i32
    %dma_wait3A_128 = arith.constant 0 : i32
    %dma_wait3A_129 = tpu.memref_slice %arg5[%dma_wait3A_127, %dma_wait3A_128] : memref<50048x128xf32, #tpu.memory_space<hbm>> -> memref<50048x128xf32, #tpu.memory_space<hbm>>
    tpu.wait_indirect_dma semaphore(%arg23 : memref<!tpu.dma_semaphore, #tpu.memory_space<semaphore_mem>>) src(%dma_wait3A_129 : memref<50048x128xf32, #tpu.memory_space<hbm>>) dst(%arg17 : memref<128x128xf32, #tpu.memory_space<vmem>>)
    %scan3A_130 = arith.constant 0 : i32
    %scan3A_131 = arith.constant 0 : i32
    %scan3A_132 = arith.constant 128 : i32
    %scan3A_133 = arith.addi %scan3A_131, %scan3A_132 : i32
    %scan3A_134 = arith.constant 1 : i32
    scf.for %scan3A_142 = %scan3A_131 to %scan3A_133 step %scan3A_134  : i32 {
      %get3A = arith.index_cast %scan3A_142 : i32 to index
      %get3A_143 = arith.constant 0 : index
      %get3A_144 = tpu.vector_load %arg15[%get3A, %get3A_143] {strides = array<i32>} : memref<128x128xf32, #tpu.memory_space<vmem>>, vector<16xf32>,
      %get3A_145 = arith.index_cast %scan3A_142 : i32 to index
      %get3A_146 = arith.constant 16 : index
      %get3A_147 = tpu.vector_load %arg15[%get3A_145, %get3A_146] {strides = array<i32>} : memref<128x128xf32, #tpu.memory_space<vmem>>, vector<16xf32>,
      %get3A_148 = arith.index_cast %scan3A_142 : i32 to index
      %get3A_149 = arith.constant 32 : index
      %get3A_150 = tpu.vector_load %arg15[%get3A_148, %get3A_149] {strides = array<i32>} : memref<128x128xf32, #tpu.memory_space<vmem>>, vector<16xf32>,
      %get3A_151 = arith.index_cast %scan3A_142 : i32 to index
      %get3A_152 = arith.constant 48 : index
      %get3A_153 = tpu.vector_load %arg15[%get3A_151, %get3A_152] {strides = array<i32>} : memref<128x128xf32, #tpu.memory_space<vmem>>, vector<16xf32>,
      %get3A_154 = arith.index_cast %scan3A_142 : i32 to index
      %get3A_155 = arith.constant 64 : index
      %get3A_156 = tpu.vector_load %arg15[%get3A_154, %get3A_155] {strides = array<i32>} : memref<128x128xf32, #tpu.memory_space<vmem>>, vector<16xf32>,
      %get3A_157 = arith.index_cast %scan3A_142 : i32 to index
      %get3A_158 = arith.constant 80 : index
      %get3A_159 = tpu.vector_load %arg15[%get3A_157, %get3A_158] {strides = array<i32>} : memref<128x128xf32, #tpu.memory_space<vmem>>, vector<16xf32>,
      %get3A_160 = arith.index_cast %scan3A_142 : i32 to index
      %get3A_161 = arith.constant 96 : index
      %get3A_162 = tpu.vector_load %arg15[%get3A_160, %get3A_161] {strides = array<i32>} : memref<128x128xf32, #tpu.memory_space<vmem>>, vector<16xf32>,
      %get3A_163 = arith.index_cast %scan3A_142 : i32 to index
      %get3A_164 = arith.constant 112 : index
      %get3A_165 = tpu.vector_load %arg15[%get3A_163, %get3A_164] {strides = array<i32>} : memref<128x128xf32, #tpu.memory_space<vmem>>, vector<16xf32>,
      %get3A_166 = arith.index_cast %scan3A_142 : i32 to index
      %get3A_167 = arith.constant 0 : index
      %get3A_168 = tpu.vector_load %arg17[%get3A_166, %get3A_167] {strides = array<i32>} : memref<128x128xf32, #tpu.memory_space<vmem>>, vector<16xf32>,
      %get3A_169 = arith.index_cast %scan3A_142 : i32 to index
      %get3A_170 = arith.constant 16 : index
      %get3A_171 = tpu.vector_load %arg17[%get3A_169, %get3A_170] {strides = array<i32>} : memref<128x128xf32, #tpu.memory_space<vmem>>, vector<16xf32>,
      %get3A_172 = arith.index_cast %scan3A_142 : i32 to index
      %get3A_173 = arith.constant 32 : index
      %get3A_174 = tpu.vector_load %arg17[%get3A_172, %get3A_173] {strides = array<i32>} : memref<128x128xf32, #tpu.memory_space<vmem>>, vector<16xf32>,
      %get3A_175 = arith.index_cast %scan3A_142 : i32 to index
      %get3A_176 = arith.constant 48 : index
      %get3A_177 = tpu.vector_load %arg17[%get3A_175, %get3A_176] {strides = array<i32>} : memref<128x128xf32, #tpu.memory_space<vmem>>, vector<16xf32>,
      %get3A_178 = arith.index_cast %scan3A_142 : i32 to index
      %get3A_179 = arith.constant 64 : index
      %get3A_180 = tpu.vector_load %arg17[%get3A_178, %get3A_179] {strides = array<i32>} : memref<128x128xf32, #tpu.memory_space<vmem>>, vector<16xf32>,
      %get3A_181 = arith.index_cast %scan3A_142 : i32 to index
      %get3A_182 = arith.constant 80 : index
      %get3A_183 = tpu.vector_load %arg17[%get3A_181, %get3A_182] {strides = array<i32>} : memref<128x128xf32, #tpu.memory_space<vmem>>, vector<16xf32>,
      %get3A_184 = arith.index_cast %scan3A_142 : i32 to index
      %get3A_185 = arith.constant 96 : index
      %get3A_186 = tpu.vector_load %arg17[%get3A_184, %get3A_185] {strides = array<i32>} : memref<128x128xf32, #tpu.memory_space<vmem>>, vector<16xf32>,
      %get3A_187 = arith.index_cast %scan3A_142 : i32 to index
      %get3A_188 = arith.constant 112 : index
      %get3A_189 = tpu.vector_load %arg17[%get3A_187, %get3A_188] {strides = array<i32>} : memref<128x128xf32, #tpu.memory_space<vmem>>, vector<16xf32>,
      %mul3A_190 = arith.mulf %get3A_144, %get3A_168 : vector<16xf32>
      %mul3A_191 = arith.mulf %get3A_144, %get3A_180 : vector<16xf32>
      %mul3A_192 = arith.mulf %get3A_156, %get3A_168 : vector<16xf32>
      %mul3A_193 = arith.mulf %get3A_156, %get3A_180 : vector<16xf32>
      %mul3A_194 = arith.mulf %get3A_147, %get3A_171 : vector<16xf32>
      %add3A_195 = arith.addf %mul3A_190, %mul3A_194 : vector<16xf32>
      %mul3A_196 = arith.mulf %get3A_147, %get3A_183 : vector<16xf32>
      %add3A_197 = arith.addf %mul3A_191, %mul3A_196 : vector<16xf32>
      %mul3A_198 = arith.mulf %get3A_159, %get3A_171 : vector<16xf32>
      %add3A_199 = arith.addf %mul3A_192, %mul3A_198 : vector<16xf32>
      %mul3A_200 = arith.mulf %get3A_159, %get3A_183 : vector<16xf32>
      %add3A_201 = arith.addf %mul3A_193, %mul3A_200 : vector<16xf32>
      %mul3A_202 = arith.mulf %get3A_150, %get3A_174 : vector<16xf32>
      %add3A_203 = arith.addf %add3A_195, %mul3A_202 : vector<16xf32>
      %mul3A_204 = arith.mulf %get3A_150, %get3A_186 : vector<16xf32>
      %add3A_205 = arith.addf %add3A_197, %mul3A_204 : vector<16xf32>
      %mul3A_206 = arith.mulf %get3A_162, %get3A_174 : vector<16xf32>
      %add3A_207 = arith.addf %add3A_199, %mul3A_206 : vector<16xf32>
      %mul3A_208 = arith.mulf %get3A_162, %get3A_186 : vector<16xf32>
      %add3A_209 = arith.addf %add3A_201, %mul3A_208 : vector<16xf32>
      %mul3A_210 = arith.mulf %get3A_153, %get3A_177 : vector<16xf32>
      %add3A_211 = arith.addf %add3A_203, %mul3A_210 : vector<16xf32>
      %mul3A_212 = arith.mulf %get3A_153, %get3A_189 : vector<16xf32>
      %add3A_213 = arith.addf %add3A_205, %mul3A_212 : vector<16xf32>
      %mul3A_214 = arith.mulf %get3A_165, %get3A_177 : vector<16xf32>
      %add3A_215 = arith.addf %add3A_207, %mul3A_214 : vector<16xf32>
      %mul3A_216 = arith.mulf %get3A_165, %get3A_189 : vector<16xf32>
      %add3A_217 = arith.addf %add3A_209, %mul3A_216 : vector<16xf32>
      %mul3A_218 = arith.constant 16 : i32
      %mul3A_219 = arith.muli %scan3A_142, %mul3A_218 : i32
      %multiple_of3A = tpu.assume_multiple %mul3A_219, 16 : i32
      %swap3A = arith.index_cast %multiple_of3A : i32 to index
      %swap3A_220 = tpu.vector_load %arg20[%swap3A] {strides = array<i32>} : memref<8192xf32, #tpu.memory_space<vmem>>, vector<16xf32>,
      tpu.vector_store %arg20[%swap3A], %add3A_211 {strides = array<i32>} : memref<8192xf32, #tpu.memory_space<vmem>>, vector<16xf32>,
      %add3A_221 = arith.constant 2048 : i32
      %add3A_222 = arith.addi %multiple_of3A, %add3A_221 : i32
      %swap3A_223 = arith.index_cast %add3A_222 : i32 to index
      %swap3A_224 = tpu.vector_load %arg20[%swap3A_223] {strides = array<i32>} : memref<8192xf32, #tpu.memory_space<vmem>>, vector<16xf32>,
      tpu.vector_store %arg20[%swap3A_223], %add3A_213 {strides = array<i32>} : memref<8192xf32, #tpu.memory_space<vmem>>, vector<16xf32>,
      %add3A_225 = arith.constant 4096 : i32
      %add3A_226 = arith.addi %multiple_of3A, %add3A_225 : i32
      %swap3A_227 = arith.index_cast %add3A_226 : i32 to index
      %swap3A_228 = tpu.vector_load %arg20[%swap3A_227] {strides = array<i32>} : memref<8192xf32, #tpu.memory_space<vmem>>, vector<16xf32>,
      tpu.vector_store %arg20[%swap3A_227], %add3A_215 {strides = array<i32>} : memref<8192xf32, #tpu.memory_space<vmem>>, vector<16xf32>,
      %add3A_229 = arith.constant 6144 : i32
      %add3A_230 = arith.addi %multiple_of3A, %add3A_229 : i32
      %swap3A_231 = arith.index_cast %add3A_230 : i32 to index
      %swap3A_232 = tpu.vector_load %arg20[%swap3A_231] {strides = array<i32>} : memref<8192xf32, #tpu.memory_space<vmem>>, vector<16xf32>,
      tpu.vector_store %arg20[%swap3A_231], %add3A_217 {strides = array<i32>} : memref<8192xf32, #tpu.memory_space<vmem>>, vector<16xf32>,
    }
    %scan3A_135 = arith.constant 128 : i32
    %scan3A_136 = arith.constant 0 : i32
    %scan3A_137 = arith.constant 0 : i32
    %scan3A_138 = arith.constant 8 : i32
    %scan3A_139 = arith.addi %scan3A_137, %scan3A_138 : i32
    %scan3A_140 = arith.constant 1 : i32
    scf.for %scan3A_142 = %scan3A_137 to %scan3A_139 step %scan3A_140  : i32 {
      %mul3A_143 = arith.constant 16 : i32
      %mul3A_144 = arith.muli %scan3A_142, %mul3A_143 : i32
      %add3A_145 = arith.constant 384 : i32
      %add3A_146 = arith.addi %add3A_145, %mul3A_144 : i32
      %get3A = arith.index_cast %add3A_146 : i32 to index
      %get3A_147 = tpu.vector_load %arg13[%get3A] {strides = array<i32>} : memref<512xi32, #tpu.memory_space<vmem>>, vector<16xi32>,
      %mul3A_148 = arith.constant 2048 : i32
      %mul3A_149 = vector.broadcast %mul3A_148 : i32 to vector<16xi32>
      %mul3A_150 = arith.muli %get3A_147, %mul3A_149 : vector<16xi32>
      %mul3A_151 = arith.constant 256 : i32
      %mul3A_152 = arith.muli %scan3A_142, %mul3A_151 : i32
      %add3A_153 = vector.broadcast %mul3A_152 : i32 to vector<16xi32>
      %add3A_154 = arith.addi %mul3A_150, %add3A_153 : vector<16xi32>
      %mul3A_155 = arith.constant 16 : i32
      %mul3A_156 = vector.broadcast %mul3A_155 : i32 to vector<16xi32>
      %mul3A_157 = arith.muli %iota3A, %mul3A_156 : vector<16xi32>
      %add3A_158 = arith.addi %add3A_154, %mul3A_157 : vector<16xi32>
      %gather3A = tpu.vector_load_idx %arg20[%add3A_158] : memref<8192xf32, #tpu.memory_space<vmem>>[vector<16xi32>], vector<16xf32>,
      %add3A_159 = arith.constant 1 : i32
      %add3A_160 = vector.broadcast %add3A_159 : i32 to vector<16xi32>
      %add3A_161 = arith.addi %add3A_158, %add3A_160 : vector<16xi32>
      %gather3A_162 = tpu.vector_load_idx %arg20[%add3A_161] : memref<8192xf32, #tpu.memory_space<vmem>>[vector<16xi32>], vector<16xf32>,
      %add3A_163 = arith.addf %gather3A, %gather3A_162 : vector<16xf32>
      %add3A_164 = arith.constant 2 : i32
      %add3A_165 = vector.broadcast %add3A_164 : i32 to vector<16xi32>
      %add3A_166 = arith.addi %add3A_158, %add3A_165 : vector<16xi32>
      %gather3A_167 = tpu.vector_load_idx %arg20[%add3A_166] : memref<8192xf32, #tpu.memory_space<vmem>>[vector<16xi32>], vector<16xf32>,
      %add3A_168 = arith.addf %add3A_163, %gather3A_167 : vector<16xf32>
      %add3A_169 = arith.constant 3 : i32
      %add3A_170 = vector.broadcast %add3A_169 : i32 to vector<16xi32>
      %add3A_171 = arith.addi %add3A_158, %add3A_170 : vector<16xi32>
      %gather3A_172 = tpu.vector_load_idx %arg20[%add3A_171] : memref<8192xf32, #tpu.memory_space<vmem>>[vector<16xi32>], vector<16xf32>,
      %add3A_173 = arith.addf %add3A_168, %gather3A_172 : vector<16xf32>
      %add3A_174 = arith.constant 4 : i32
      %add3A_175 = vector.broadcast %add3A_174 : i32 to vector<16xi32>
      %add3A_176 = arith.addi %add3A_158, %add3A_175 : vector<16xi32>
      %gather3A_177 = tpu.vector_load_idx %arg20[%add3A_176] : memref<8192xf32, #tpu.memory_space<vmem>>[vector<16xi32>], vector<16xf32>,
      %add3A_178 = arith.addf %add3A_173, %gather3A_177 : vector<16xf32>
      %add3A_179 = arith.constant 5 : i32
      %add3A_180 = vector.broadcast %add3A_179 : i32 to vector<16xi32>
      %add3A_181 = arith.addi %add3A_158, %add3A_180 : vector<16xi32>
      %gather3A_182 = tpu.vector_load_idx %arg20[%add3A_181] : memref<8192xf32, #tpu.memory_space<vmem>>[vector<16xi32>], vector<16xf32>,
      %add3A_183 = arith.addf %add3A_178, %gather3A_182 : vector<16xf32>
      %add3A_184 = arith.constant 6 : i32
      %add3A_185 = vector.broadcast %add3A_184 : i32 to vector<16xi32>
      %add3A_186 = arith.addi %add3A_158, %add3A_185 : vector<16xi32>
      %gather3A_187 = tpu.vector_load_idx %arg20[%add3A_186] : memref<8192xf32, #tpu.memory_space<vmem>>[vector<16xi32>], vector<16xf32>,
      %add3A_188 = arith.addf %add3A_183, %gather3A_187 : vector<16xf32>
      %add3A_189 = arith.constant 7 : i32
      %add3A_190 = vector.broadcast %add3A_189 : i32 to vector<16xi32>
      %add3A_191 = arith.addi %add3A_158, %add3A_190 : vector<16xi32>
      %gather3A_192 = tpu.vector_load_idx %arg20[%add3A_191] : memref<8192xf32, #tpu.memory_space<vmem>>[vector<16xi32>], vector<16xf32>,
      %add3A_193 = arith.addf %add3A_188, %gather3A_192 : vector<16xf32>
      %add3A_194 = arith.constant 8 : i32
      %add3A_195 = vector.broadcast %add3A_194 : i32 to vector<16xi32>
      %add3A_196 = arith.addi %add3A_158, %add3A_195 : vector<16xi32>
      %gather3A_197 = tpu.vector_load_idx %arg20[%add3A_196] : memref<8192xf32, #tpu.memory_space<vmem>>[vector<16xi32>], vector<16xf32>,
      %add3A_198 = arith.addf %add3A_193, %gather3A_197 : vector<16xf32>
      %add3A_199 = arith.constant 9 : i32
      %add3A_200 = vector.broadcast %add3A_199 : i32 to vector<16xi32>
      %add3A_201 = arith.addi %add3A_158, %add3A_200 : vector<16xi32>
      %gather3A_202 = tpu.vector_load_idx %arg20[%add3A_201] : memref<8192xf32, #tpu.memory_space<vmem>>[vector<16xi32>], vector<16xf32>,
      %add3A_203 = arith.addf %add3A_198, %gather3A_202 : vector<16xf32>
      %add3A_204 = arith.constant 10 : i32
      %add3A_205 = vector.broadcast %add3A_204 : i32 to vector<16xi32>
      %add3A_206 = arith.addi %add3A_158, %add3A_205 : vector<16xi32>
      %gather3A_207 = tpu.vector_load_idx %arg20[%add3A_206] : memref<8192xf32, #tpu.memory_space<vmem>>[vector<16xi32>], vector<16xf32>,
      %add3A_208 = arith.addf %add3A_203, %gather3A_207 : vector<16xf32>
      %add3A_209 = arith.constant 11 : i32
      %add3A_210 = vector.broadcast %add3A_209 : i32 to vector<16xi32>
      %add3A_211 = arith.addi %add3A_158, %add3A_210 : vector<16xi32>
      %gather3A_212 = tpu.vector_load_idx %arg20[%add3A_211] : memref<8192xf32, #tpu.memory_space<vmem>>[vector<16xi32>], vector<16xf32>,
      %add3A_213 = arith.addf %add3A_208, %gather3A_212 : vector<16xf32>
      %add3A_214 = arith.constant 12 : i32
      %add3A_215 = vector.broadcast %add3A_214 : i32 to vector<16xi32>
      %add3A_216 = arith.addi %add3A_158, %add3A_215 : vector<16xi32>
      %gather3A_217 = tpu.vector_load_idx %arg20[%add3A_216] : memref<8192xf32, #tpu.memory_space<vmem>>[vector<16xi32>], vector<16xf32>,
      %add3A_218 = arith.addf %add3A_213, %gather3A_217 : vector<16xf32>
      %add3A_219 = arith.constant 13 : i32
      %add3A_220 = vector.broadcast %add3A_219 : i32 to vector<16xi32>
      %add3A_221 = arith.addi %add3A_158, %add3A_220 : vector<16xi32>
      %gather3A_222 = tpu.vector_load_idx %arg20[%add3A_221] : memref<8192xf32, #tpu.memory_space<vmem>>[vector<16xi32>], vector<16xf32>,
      %add3A_223 = arith.addf %add3A_218, %gather3A_222 : vector<16xf32>
      %add3A_224 = arith.constant 14 : i32
      %add3A_225 = vector.broadcast %add3A_224 : i32 to vector<16xi32>
      %add3A_226 = arith.addi %add3A_158, %add3A_225 : vector<16xi32>
      %gather3A_227 = tpu.vector_load_idx %arg20[%add3A_226] : memref<8192xf32, #tpu.memory_space<vmem>>[vector<16xi32>], vector<16xf32>,
      %add3A_228 = arith.addf %add3A_223, %gather3A_227 : vector<16xf32>
      %add3A_229 = arith.constant 15 : i32
      %add3A_230 = vector.broadcast %add3A_229 : i32 to vector<16xi32>
      %add3A_231 = arith.addi %add3A_158, %add3A_230 : vector<16xi32>
      %gather3A_232 = tpu.vector_load_idx %arg20[%add3A_231] : memref<8192xf32, #tpu.memory_space<vmem>>[vector<16xi32>], vector<16xf32>,
      %add3A_233 = arith.addf %add3A_228, %gather3A_232 : vector<16xf32>
      %get3A_234 = arith.index_cast %add3A_146 : i32 to index
      %get3A_235 = tpu.vector_load %arg18[%get3A_234] {strides = array<i32>} : memref<512xf32, #tpu.memory_space<vmem>>, vector<16xf32>,
      %add3A_236 = arith.addf %add3A_233, %get3A_235 : vector<16xf32>
      %get3A_237 = arith.index_cast %add3A_146 : i32 to index
      %get3A_238 = tpu.vector_load %arg19[%get3A_237] {strides = array<i32>} : memref<512xf32, #tpu.memory_space<vmem>>, vector<16xf32>,
      %add3A_239 = arith.addf %add3A_236, %get3A_238 : vector<16xf32>
      %swap3A = arith.index_cast %add3A_146 : i32 to index
      %swap3A_240 = tpu.vector_load %arg21[%swap3A] {strides = array<i32>} : memref<512xf32, #tpu.memory_space<vmem>>, vector<16xf32>,
      tpu.vector_store %arg21[%swap3A], %add3A_239 {strides = array<i32>} : memref<512xf32, #tpu.memory_space<vmem>>, vector<16xf32>,
    }
    %scan3A_141 = arith.constant 8 : i32
    "tpu.region"() ({
      %run_scoped3A = tpu.sem_alloc : memref<!tpu.dma_semaphore, #tpu.memory_space<semaphore_mem>>
      %dma_start3A_142 = tpu.memref_slice %arg8[%mul3A_2] : memref<16384xf32, #tpu.memory_space<hbm>> -> memref<512xf32, #tpu.memory_space<hbm>>
      %dma_start3A_143 = tpu.memref_slice %arg8[%mul3A_2] : memref<16384xf32, #tpu.memory_space<hbm>> -> memref<512xf32, #tpu.memory_space<hbm>>
      tpu.enqueue_dma source(%arg21 : memref<512xf32, #tpu.memory_space<vmem>>) target(%dma_start3A_143 : memref<512xf32, #tpu.memory_space<hbm>>) target_semaphore(%run_scoped3A : memref<!tpu.dma_semaphore, #tpu.memory_space<semaphore_mem>>)
      %dma_wait3A_144 = tpu.memref_slice %arg8[%mul3A_2] : memref<16384xf32, #tpu.memory_space<hbm>> -> memref<512xf32, #tpu.memory_space<hbm>>
      %dma_wait3A_145 = tpu.memref_slice %arg8[%mul3A_2] : memref<16384xf32, #tpu.memory_space<hbm>> -> memref<512xf32, #tpu.memory_space<hbm>>
      tpu.wait_dma2 semaphore(%run_scoped3A : memref<!tpu.dma_semaphore, #tpu.memory_space<semaphore_mem>>) src(%arg21 : memref<512xf32, #tpu.memory_space<vmem>>) dst(%dma_wait3A_145 : memref<512xf32, #tpu.memory_space<hbm>>)
      tpu.yield
    }) : () -> ()
    return
  }
}

module attributes {stable_mosaic.version = 14 : i64} {
  func.func @_transpose_body(%arg0: i32, %arg1: memref<64x2944xf32, #tpu.memory_space<vmem>>, %arg2: memref<64x2944xf32, #tpu.memory_space<vmem>>, %arg3: memref<64x2944xf32, #tpu.memory_space<vmem>>, %arg4: memref<64x2944xf32, #tpu.memory_space<vmem>>, %arg5: memref<2944x128xf32, #tpu.memory_space<vmem>>, %arg6: memref<2944x128xf32, #tpu.memory_space<vmem>>) attributes {dimension_semantics = [#tpu.dimension_semantics<arbitrary>], iteration_bounds = array<i64: 17>, scalar_prefetch = 0 : i64, scratch_operands = 0 : i64, tpu.core_type = #tpu.core_type<tc>, window_params = [{transform_indices = @transform_0, window_bounds = array<i64: 64, 2944>}, {transform_indices = @transform_1, window_bounds = array<i64: 64, 2944>}, {transform_indices = @transform_2, window_bounds = array<i64: 64, 2944>}, {transform_indices = @transform_3, window_bounds = array<i64: 64, 2944>}, {transform_indices = @transform_4, window_bounds = array<i64: 2944, 128>}, {transform_indices = @transform_5, window_bounds = array<i64: 2944, 128>}]} {
    %get3A = arith.constant 0 : index
    %get3A_0 = arith.constant 0 : index
    %get3A_1 = vector.load %arg1[%get3A, %get3A_0] : memref<64x2944xf32, #tpu.memory_space<vmem>>, vector<64x2944xf32>
    %transpose3A = tpu.transpose %get3A_1, [1, 0] : vector<64x2944xf32> -> vector<2944x64xf32>
    %get3A_2 = arith.constant 0 : index
    %get3A_3 = arith.constant 0 : index
    %get3A_4 = vector.load %arg2[%get3A_2, %get3A_3] : memref<64x2944xf32, #tpu.memory_space<vmem>>, vector<64x2944xf32>
    %transpose3A_5 = tpu.transpose %get3A_4, [1, 0] : vector<64x2944xf32> -> vector<2944x64xf32>
    %concatenate3A = tpu.concatenate %transpose3A, %transpose3A_5 in 1 : vector<2944x64xf32>, vector<2944x64xf32> -> vector<2944x128xf32>
    %swap3A = arith.constant 0 : index
    %swap3A_6 = arith.constant 0 : index
    %swap3A_7 = vector.load %arg5[%swap3A, %swap3A_6] : memref<2944x128xf32, #tpu.memory_space<vmem>>, vector<2944x128xf32>
    tpu.vector_store %arg5[%swap3A, %swap3A_6], %concatenate3A {strides = array<i32>} : memref<2944x128xf32, #tpu.memory_space<vmem>>, vector<2944x128xf32>,
    %get3A_8 = arith.constant 0 : index
    %get3A_9 = arith.constant 0 : index
    %get3A_10 = vector.load %arg3[%get3A_8, %get3A_9] : memref<64x2944xf32, #tpu.memory_space<vmem>>, vector<64x2944xf32>
    %transpose3A_11 = tpu.transpose %get3A_10, [1, 0] : vector<64x2944xf32> -> vector<2944x64xf32>
    %get3A_12 = arith.constant 0 : index
    %get3A_13 = arith.constant 0 : index
    %get3A_14 = vector.load %arg4[%get3A_12, %get3A_13] : memref<64x2944xf32, #tpu.memory_space<vmem>>, vector<64x2944xf32>
    %transpose3A_15 = tpu.transpose %get3A_14, [1, 0] : vector<64x2944xf32> -> vector<2944x64xf32>
    %concatenate3A_16 = tpu.concatenate %transpose3A_11, %transpose3A_15 in 1 : vector<2944x64xf32>, vector<2944x64xf32> -> vector<2944x128xf32>
    %swap3A_17 = arith.constant 0 : index
    %swap3A_18 = arith.constant 0 : index
    %swap3A_19 = vector.load %arg6[%swap3A_17, %swap3A_18] : memref<2944x128xf32, #tpu.memory_space<vmem>>, vector<2944x128xf32>
    tpu.vector_store %arg6[%swap3A_17, %swap3A_18], %concatenate3A_16 {strides = array<i32>} : memref<2944x128xf32, #tpu.memory_space<vmem>>, vector<2944x128xf32>,
    return
  }
  func.func @transform_0(%arg0: i32) -> (i32, i32) {
    %c0_i32 = arith.constant 0 : i32
    %c0_i32_0 = arith.constant 0 : i32
    return %c0_i32, %arg0 : i32, i32
  }
  func.func @transform_1(%arg0: i32) -> (i32, i32) {
    %add3A = arith.constant 17 : i32
    %add3A_0 = arith.addi %arg0, %add3A : i32
    %c0_i32 = arith.constant 0 : i32
    %c0_i32_1 = arith.constant 0 : i32
    return %c0_i32, %add3A_0 : i32, i32
  }
  func.func @transform_2(%arg0: i32) -> (i32, i32) {
    %c0_i32 = arith.constant 0 : i32
    %c0_i32_0 = arith.constant 0 : i32
    return %c0_i32, %arg0 : i32, i32
  }
  func.func @transform_3(%arg0: i32) -> (i32, i32) {
    %add3A = arith.constant 17 : i32
    %add3A_0 = arith.addi %arg0, %add3A : i32
    %c0_i32 = arith.constant 0 : i32
    %c0_i32_1 = arith.constant 0 : i32
    return %c0_i32, %add3A_0 : i32, i32
  }
  func.func @transform_4(%arg0: i32) -> (i32, i32) {
    %c0_i32 = arith.constant 0 : i32
    %c0_i32_0 = arith.constant 0 : i32
    return %arg0, %c0_i32 : i32, i32
  }
  func.func @transform_5(%arg0: i32) -> (i32, i32) {
    %c0_i32 = arith.constant 0 : i32
    %c0_i32_0 = arith.constant 0 : i32
    return %arg0, %c0_i32 : i32, i32
  }
}

</mosaic_0001>

<sc_bundles>
// kernel: kernel.4.cloned.1.call-start
scs
__scs_entry_jumppad:
0x0: {  	(pc) =	sbr.rel $0x88, $3  }
0x1: {  	(tag) =	ssettag $0x0;
	lr =	simm.s32 $0x1  }
0x2: {  	[smem:$0x3F9B] =	sst lr;
	_ =	strace $0xD0000000  }
0x3: {  	_ = 	snop  }
0x4: {  	_ = 	snop  }
0x5: {  	_ = 	snop  }
0x6: {  	_ = 	snop  }
0x7: {  	_ = 	snop  }
__scs_overlays_trampoline_lowered:
0x8: {  	[smem:$0x3FAA] =	sst s0  }
0x9: {  	[smem:$0x3FAB] =	sst s1  }
0xa: {  	[smem:$0x3FAC] =	sst s2  }
0xb: {  	[smem:$0x3FAD] =	sst s3  }
0xc: {  	[smem:$0x3FAE] =	sst s4  }
0xd: {  	[smem:$0x3FAF] =	sst s5  }
0xe: {  	[smem:$0x3FB0] =	sst s6  }
0xf: {  	[smem:$0x3FB1] =	sst s7  }
0x10: {  	[smem:$0x3FB2] =	sst s8  }
0x11: {  	[smem:$0x3FB3] =	sst s9;
	s0 =	simm.s32 @!p0 $0x0  }
0x12: {  	s1 =	sld [smem:$0x3F99];
	s0 =	simm.s32 @p0 $0x1  }
0x13: {  	[smem:$0x3FB4] =	sst s0;
	s0 =	simm.s32 @!p1 $0x0  }
0x14: {  	s2 =	sld [smem:$0x3F98];
	s0 =	simm.s32 @p1 $0x1  }
0x15: {  	[smem:$0x3FB5] =	sst s0;
	s0 =	simm.s32 @!p2 $0x0  }
0x16: {  	s3 =	sld [smem:$0x3FDB];
	s0 =	simm.s32 @p2 $0x1  }
0x17: {  	s4 =	simm.s32 $0x1BF5;
	[smem:$0x3FB7] =	sst s0  }
0x18: {  	s0 =	sld [smem:$0x3F9A];
	_ =	swait.ge [sflag:s4], $0x0  }
0x19: {  	s7 =	sld [smem:$0x3F9B]  }
0x1a: {  	s8 =	sadd.s32 $0xFFFFE003, lr  }
0x1b: {  	s9 =	sadd.s32 $0xFFFFFEF7, lr;
	s5 =	simm.s32 $0xFFFFFFFF;
	p2 =	slt.u32 s8, $0xFFFFF086  }
0x1c: {  	p1 =	slt.u32 s9, $0xF7A;
	s5 =	simm.s32 @!p2 $0x0  }
0x1d: {  	s5 =	simm.s32 @p1 $0x1;
	p0 =	seq.s32 s7, s2  }
0x1e: {  	s7 =	smul.u32 @!p0 $0xF7A, s2;
	p2 =	seq.s32 @!p0 s5, $0x0  }
0x1f: {  	s9 =	smul.u32 $0xF7A, s1;
	s8 =	simm.s32 @!p0 $0x1BF5;
	p2 =	por !p2, p0  }
0x20: {  	[sflag:s8] =	ssyncset.s32 @!p0 $0xFFFFF086;
	s6 =	sadd.s32 @!p0 s3, s7;
	s7 =	simm.s32 @!p0 $0x108  }
0x21: {  	s3 =	sadd.s32 s3, s9;
	s6 =	sadd.s32 @!p0 $0x88, s6;
	s7 =	simm.s32 @p2 $0x1082  }
0x22: {  	[simem:s7], [sflag:s8] =	dma.local @!p0 [hbm:s6], $0xF7A  }
0x23: {  	s9 =	sor.u32 $0xD0000000, s2;
	s6 =	simm.s32 $0x108;
	_ =	swait.ge @!p0 [sflag:s8], $0x0  }
0x24: {  	s3 =	sadd.s32 $0x88, s3;
	s6 =	simm.s32 @!p1 $0x1082;
	[sflag:s4] =	ssyncset.s32 $0xFFFFF086  }
0x25: {  	[simem:s6], [sflag:s4] =	dma.local [hbm:s3], $0xF7A  }
0x26: {  	[smem:$0x3F9B] =	sst s1;
	(tag) =	ssettag s2;
	_ =	strace s9  }
0x27: {  	s1 =	sld [smem:$0x3FAB]  }
0x28: {  	s2 =	sld [smem:$0x3FAC]  }
0x29: {  	s4 =	sld [smem:$0x3FAE]  }
0x2a: {  	p0 =	seq.s32 s5, $0x0;
	s5 =	sld [smem:$0x3FAF]  }
0x2b: {  	s6 =	sld [smem:$0x3FB0]  }
0x2c: {  	s7 =	sld [smem:$0x3FB1]  }
0x2d: {  	s3 =	simm.s32 $0x108;
	s8 =	sld [smem:$0x3FB2]  }
0x2e: {  	s3 =	simm.s32 @!p0 $0x1082;
	s9 =	sld [smem:$0x3FB3]  }
0x2f: {  	lr =	sadd.s32 s0, s3;
	s0 =	sld [smem:$0x3FAA]  }
0x30: {  	s3 =	sld [smem:$0x3FAD]  }
0x31: {  	[smem:$0x3FB6] =	sst s10  }
0x32: {  	s10 =	sld [smem:$0x3FB4];
	_ =	sdelay $0x3  }
0x33: {  	p0 =	seq.s32 s10, $0x1;
	s10 =	sld [smem:$0x3FB6];
	_ =	sdelay $0x3  }
0x34: {  	[smem:$0x3FB6] =	sst s10  }
0x35: {  	s10 =	sld [smem:$0x3FB5];
	_ =	sdelay $0x3  }
0x36: {  	p1 =	seq.s32 s10, $0x1;
	s10 =	sld [smem:$0x3FB6];
	_ =	sdelay $0x3  }
0x37: {  	[smem:$0x3FB6] =	sst s10  }
0x38: {  	s10 =	sld [smem:$0x3FB7]  }
0x39: {  	_ = 	snop;
	(pc) =	sbr.ind lr, $3  }
0x3a: {  	_ = 	snop  }
0x3b: {  	_ = 	snop  }
0x3c: {  	p2 =	seq.s32 s10, $0x1;
	s10 =	sld [smem:$0x3FB6]  }
0x3d: {  	_ =	shalt  }
0x3e: {  	_ =	shalt  }
0x3f: {  	_ =	shalt  }
0x40: {  	_ =	shalt  }
0x41: {  	_ =	shalt  }
0x42: {  	_ =	shalt  }
0x43: {  	_ =	shalt  }
0x44: {  	_ =	shalt  }
0x45: {  	_ =	shalt  }
0x46: {  	_ =	shalt  }
0x47: {  	_ =	shalt  }
0x48: {  	_ =	shalt  }
0x49: {  	_ =	shalt  }
0x4a: {  	_ =	shalt  }
0x4b: {  	_ =	shalt  }
0x4c: {  	_ =	shalt  }
0x4d: {  	_ =	shalt  }
0x4e: {  	_ =	shalt  }
0x4f: {  	_ =	shalt  }
0x50: {  	_ =	shalt  }
0x51: {  	_ =	shalt  }
0x52: {  	_ =	shalt  }
0x53: {  	_ =	shalt  }
0x54: {  	_ =	shalt  }
0x55: {  	_ =	shalt  }
0x56: {  	_ =	shalt  }
0x57: {  	_ =	shalt  }
0x58: {  	_ =	shalt  }
0x59: {  	_ =	shalt  }
0x5a: {  	_ =	shalt  }
0x5b: {  	_ =	shalt  }
0x5c: {  	_ =	shalt  }
0x5d: {  	_ =	shalt  }
0x5e: {  	_ =	shalt  }
0x5f: {  	_ =	shalt  }
0x60: {  	_ =	shalt  }
0x61: {  	_ =	shalt  }
0x62: {  	_ =	shalt  }
0x63: {  	_ =	shalt  }
0x64: {  	_ =	shalt  }
0x65: {  	_ =	shalt  }
0x66: {  	_ =	shalt  }
0x67: {  	_ =	shalt  }
0x68: {  	_ =	shalt  }
0x69: {  	_ =	shalt  }
0x6a: {  	_ =	shalt  }
0x6b: {  	_ =	shalt  }
0x6c: {  	_ =	shalt  }
0x6d: {  	_ =	shalt  }
0x6e: {  	_ =	shalt  }
0x6f: {  	_ =	shalt  }
0x70: {  	_ =	shalt  }
0x71: {  	_ =	shalt  }
0x72: {  	_ =	shalt  }
0x73: {  	_ =	shalt  }
0x74: {  	_ =	shalt  }
0x75: {  	_ =	shalt  }
0x76: {  	_ =	shalt  }
0x77: {  	_ =	shalt  }
0x78: {  	_ =	shalt  }
0x79: {  	_ =	shalt  }
0x7a: {  	_ =	shalt  }
0x7b: {  	_ =	shalt  }
0x7c: {  	_ =	shalt  }
0x7d: {  	_ =	shalt  }
0x7e: {  	_ =	shalt  }
0x7f: {  	_ =	shalt  }
0x80: {  	_ =	shalt  }
0x81: {  	_ =	shalt  }
0x82: {  	_ =	shalt  }
0x83: {  	_ =	shalt  }
0x84: {  	_ =	shalt  }
0x85: {  	_ =	shalt  }
0x86: {  	_ =	shalt  }
0x87: {  	_ =	shalt  }
.Lfunc_end0:
.L_simem_size_0:
called_computation_lowered:
.L_overlay_start_0:
0x88: {  	s2 =	sld [smem:$0x3FD9]  }
0x89: {  	s3 =	sld [smem:$0x3FFE];
	_ =	sdelay $0x1  }
0x8a: {  	s1 =	srdreg.scid  }
0x8b: {  	s0 =	sand.u32 $0x1, s1  }
0x8c: {  	s17 =	sshll.u32 s0, $0xA;
	s2 =	sadd.s32 s3, s2  }
0x8d: {  	s2 =	sadd.s32 s2, s17  }
0x8e: {  	[smem:$0x3FC2] =	sst s2  }
0x8f: {  	_ = 	snop  }
0x90: {  	s2 =	sld [smem:$0x3FC9]  }
0x91: {  	s18 =	sld [smem:$0x3FC8]  }
0x92: {  	s4 =	sld [smem:$0x3FD0];
	(tm) =	ssettm $0x1  }
0x93: {  	s5 =	sld [smem:$0x3FFB];
	_ =	sdelay $0x3  }
0x94: {  	_ =	strace s5  }
0x95: {  	s5 =	sld [smem:$0x3FFC];
	_ =	sdelay $0x3  }
0x96: {  	_ =	strace s5  }
0x97: {  	s5 =	sld [smem:$0x3FFD];
	_ =	sdelay $0x3  }
0x98: {  	_ =	strace s5  }
0x99: {  	_ =	strace $0x8FFFFFFF  }
0x9a: {  	s19 =	sld [smem:$0x3FDB];
	_ =	sdelay $0x1  }
0x9b: {  	s6 =	simm.s32 $_scs_section_size  }
0x9c: {  	s7 =	simm.s32 $_size__tile_overlayer_lowered;
	s8 =	simm.s32 $_tile_overlayer_lowered  }
0x9d: {  	s22 =	simm.s32 $0x1BFF;
	s21 =	sshll.u32 s8, $0x1;
	s5 =	sadd.s32 s6, s19  }
0x9e: {  	s9 =	simm.s32 $0x0;
	s20 =	sshll.u32 s7, $0x1;
	s7 =	sadd.s32 s21, s5  }
0x9f: {  	[timem:s9], [sflag:s22] =	dma.local [hbm:s7], s20  }
0xa0: {  	_ =	swait.ge [sflag:s22], s20  }
0xa1: {  	s6 =	ssub.s32 $0x0, s20;
	[sflag:s22] =	ssyncset.done $0x0  }
0xa2: {  	[sflag:s22] =	ssyncadd.s32 s6;
	_ =	sdelay $0x1  }
0xa3: {  	s23 =	simm.s32 $0x1B8B  }
0xa4: {  	_ =	swait.ge [sflag:s23], $0x1  }
0xa5: {  	[sflag:s23] =	ssyncset.done $0x0  }
0xa6: {  	s25 =	simm.s32 $0x1B8E;
	s24 =	sld [smem:$0x3FFE];
	[sflag:s23] =	ssyncadd.s32 $0xFFFFFFFF  }
0xa7: {  	s26 =	simm.s32 $execute0_lowered;
	[smem:$0x3FD2] =	sst s25  }
0xa8: {  	s7 =	sshll.u32 s26, $0x1;
	_ =	strace $0x80000046;
	[dreg:$0x1] =	wrdreg $0xFFFFFFFF  }
0xa9: {  	s28 =	simm.s32 $_size_execute0_lowered;
	s5 =	sadd.s32 s5, s7;
	[dreg:$0x0] =	wrdreg $0x0  }
0xaa: {  	s7 =	sshll.u32 s28, $0x1;
	[dreg:$0x2] =	wrdreg s5  }
0xab: {  	[dreg:$0x3] =	wrdreg s7  }
0xac: {  	[dreg:$0x4] =	wrdreg $0xC0  }
0xad: {  	_ =	task [dreg:s9], $0x5FFFF  }
0xae: {  	[dreg:$0x1] =	wrdreg $0xFFFFFFFF  }
0xaf: {  	[dreg:$0x0] =	wrdreg $0x60  }
0xb0: {  	[dreg:$0x2] =	wrdreg s2  }
0xb1: {  	[dreg:$0x3] =	wrdreg s18  }
0xb2: {  	[dreg:$0x4] =	wrdreg s24  }
0xb3: {  	[dreg:$0x5] =	wrdreg s4  }
0xb4: {  	[dreg:$0x6] =	wrdreg $0x9  }
0xb5: {  	_ =	task.clear_ibuf [dreg:s9], $0x7FFFF;
	_ =	strace $0x90000046  }
0xb6: {  	s29 =	simm.s32 $0x9;
	_ =	strace $0x80000048  }
0xb7: {  	_ =	swait.ge [sflag:s29], $0x1  }
0xb8: {  	[sflag:s29] =	ssyncadd.s32 $0xFFFFFFFF  }
0xb9: {  	_ =	strace $0x90000048  }
0xba: {  	_ =	sfence  }
0xbb: {  	s30 =	sld [smem:$0x0];
	_ =	sdelay $0x2  }
0xbc: {  	s31 =	sshll.u32 s1, $0xD;
	s1 =	sshrl.u32 s1, $0x2  }
0xbd: {  	s3 =	sand.u32 $0x4000, s31;
	s1 =	sadd.s32 s1, s30  }
0xbe: {  	s0 =	sor.u32 s3, s0;
	s1 =	sshll.u32 s1, $0x11  }
0xbf: {  	s0 =	sor.u32 s1, s0  }
0xc0: {  	s0 =	sadd.s32 $0x8F2B, s0  }
0xc1: {  	[sflag:s0] =	ssyncadd.remote.s32 $0x1  }
0xc2: {  	_ =	sfence.sel $0xFFFF  }
0xc3: {  	[dreg:$0x0] =	wrdreg $0xFFFFFFFF;
	(pc) =	sbr.abs _section_cstart, $3  }
0xc4: {  	[dreg:$0x1] =	wrdreg $0xFFFFFFFF  }
0xc5: {  	_ =	task.clear_ibuf [dreg:s9], $0x2FFFF;
	_ =	strace $0x9FFFFFFF  }
0xc6: {  	(tm) =	ssettm $0x7FFFFFFF  }
0xc7: {  	_ =	shalt  }
tec
execute0_lowered:
.L_overlay_start_1:
0x0: {  	(tag) =	ssettag $0x1  }
0x1: {  	s0 =	rddreg [dreg:$0x0]  }
0x2: {  	s1 =	rddreg [dreg:$0x1]  }
0x3: {  	s11 =	rddreg [dreg:$0x2]  }
0x4: {  	s3 =	rddreg [dreg:$0x3];
	s2 =	simm.s32 $0x0;
	s5 =	srdreg.scid  }
0x5: {  	s9 =	stileid.u32;
	v0 =	vlaneseq.u32;
	s12 =	simm.s32 $0x200;
	s15 =	simm.s32 $0x3  }
0x6: {  	s16 =	simm.s32 $0x80;
	s22 =	simm.s32 $0x4A00;
	s24 =	simm.s32 $0xCA00;
	v1 =	vand.u32 $0x7, v0;
	v0 =	vmul.u32 $0x10, v0  }
0x7: {  	s25 =	simm.s32 $0x1;
	s26 =	simm.s32 $0x10E00;
	s30 =	simm.s32 $0x2  }
0x8: {  	s13 =	simm.s32 $0x0;
	[smem:$0x7FF] =	sst s2;
	s4 =	sadd.s32 $0x6400, s11;
	v2 =	vmul.u32 $0x10, v1;
	v1 =	vimm.s32 $0x0;
	v3 =	vor.u32 $0x1, v0  }
0x9: {  	s6 =	sand.u32 $0x1, s5;
	s5 =	sadd.s32 $0xC9C00, s11;
	s9 =	sshll.u32 s9, $0x7;
	v4 =	vor.u32 $0x2, v0;
	v5 =	vor.u32 $0x3, v0;
	v6 =	vor.u32 $0x4, v0  }
0xa: {  	_ =	strace $0x80000047;
	s7 =	ssub.s32 $0x2, s6;
	s10 =	sshll.u32 s6, $0x6;
	v7 =	vor.u32 $0x5, v0;
	v8 =	vor.u32 $0x6, v0;
	v9 =	vor.u32 $0x7, v0  }
0xb: {  	s6 =	sadd.s32 $0x3200, s11;
	s8 =	sshrl.u32 s7, $0x1;
	s9 =	sor.u32 s10, s9;
	v10 =	vor.u32 $0x8, v0;
	v11 =	vor.u32 $0x9, v0;
	v12 =	vor.u32 $0xA, v0  }
0xc: {  	s11 =	simm.s32 $0x4;
	v13 =	vor.u32 $0xB, v0;
	v14 =	vor.u32 $0xC, v0;
	v15 =	vor.u32 $0xD, v0;
	s31 =	ssub.s32 s7, s8;
	s7 =	sadd.s32 s0, s9  }
0xd: {  	v16 =	vor.u32 $0xE, v0;
	v17 =	vor.u32 $0xF, v0;
	s8 =	sadd.s32 s1, s9;
	s9 =	sadd.s32 s3, s9;
	v2 =	vor.u32 $0xFFFFFF80, v2;
	s10 =	smax.u32 s31, $0x1  }
.LBB2_1:
0xe: {  	[tilespmem:s2], [sflag:$0x4] =	stream.linear.gather [hbm4b:s7+s2], $0x200, $0x38;
	[tilespmem:$0x13000] =	vst v63  }
0xf: {  	_ =	swait.ge [sflag:s11], $0x200  }
0x10: {  	[sflag:s11] =	ssyncset.done $0x0  }
0x11: {  	[sflag:s11] =	ssyncadd.s32 $0xFFFFFE00  }
0x12: {  	[tilespmem:s12], [sflag:$0x4] =	stream.linear.gather [hbm4b:s8+s2], $0x200, $0x38;
	[tilespmem:$0x13000] =	vst v63  }
0x13: {  	_ =	swait.ge [sflag:s11], $0x200  }
0x14: {  	[sflag:s11] =	ssyncset.done $0x0  }
0x15: {  	[sflag:s11] =	ssyncadd.s32 $0xFFFFFE00  }
0x16: {  	s1 =	simm.s32 $0x10A00;
	s0 =	rddreg [dreg:$0x2]  }
0x17: {  	[tilespmem:s1], [sflag:$0x3] =	stream.indirect.gather [hbm4b:s0+s12], $0x1, s2, s12, $0xb8;
	[tilespmem:$0x13000] =	vst v63  }
0x18: {  	s31 =	simm.s32 $0x10C00;
	s1 =	simm.s32 $0x0  }
0x19: {  	[tilespmem:s31], [sflag:$0x3] =	stream.indirect.gather [hbm4b:s6+s12], $0x1, s12, s12, $0xb8;
	[tilespmem:$0x13000] =	vst v63  }
0x1a: {  	v20 =	vld [tilespmem:s1+$0x0]  }
0x1b: {  	v21 =	vld [tilespmem:s1+$0x200];
	_ =	sdelay $0x3  }
0x1c: {  	s0 =	simm.s32 $0x10  }
0x1d: {  	v19 =	vld [tilespmem:s0+$0x0];
	vm0 =	vgt.s32 v20, $0xC37F;
	vm1 =	vgt.s32 v21, $0xC37F  }
0x1e: {  	v18 =	vld [tilespmem:s0+$0x200];
	v22 =	vsel vm1, $0x1, v1;
	v23 =	vsel vm0, $0x2, v1  }
0x1f: {  	v24 =	vsel vm0, $0xFFFF3C80, v1;
	v22 =	vor.u32 v22, v23  }
0x20: {  	v23 =	vadd.s32 v20, v24;
	v20 =	vsel vm1, $0xFFFF3C80, v1;
	[tilespmem:s1+$0x800] =	vst v22  }
0x21: {  	s3 =	simm.s32 $0x80;
	v20 =	vadd.s32 v21, v20;
	[tilespmem:s1+$0x400] =	vst v23  }
.LBB2_2:
0x22: {  	[tilespmem:s1+$0x600] =	vst v20;
	v20 =	vmov v19;
	s1 =	smov.u32 s0;
	s0 =	sshra.s32 s3, $0x2;
	p0 =	sne.s32 s3, $0x7C0  }
.Ltmp0:
0x23: {  	s3 =	sadd.s32 $0x40, s3;
	v19 =	vld [tilespmem:s0+$0x0];
	vm0 =	vgt.s32 v20, $0xC37F;
	vm1 =	vgt.s32 v18, $0xC37F;
	v21 =	vmov v18;
	(pc) =	sbr.rel @p0 .LBB2_2-.Ltmp0, $4  }
0x24: {  	v18 =	vld [tilespmem:s0+$0x200];
	v22 =	vsel vm1, $0x1, v1;
	v23 =	vsel vm0, $0xFFFF3C80, v1;
	v24 =	vsel vm0, $0x2, v1  }
0x25: {  	v23 =	vadd.s32 v20, v23;
	v20 =	vsel vm1, $0xFFFF3C80, v1;
	v22 =	vor.u32 v22, v24  }
0x26: {  	v20 =	vadd.s32 v21, v20;
	[tilespmem:s1+$0x800] =	vst v22  }
0x27: {  	[tilespmem:s1+$0x400] =	vst v23  }
0x28: {  	vm0 =	vgt.s32 v19, $0xC37F  }
0x29: {  	[tilespmem:s1+$0x600] =	vst v20;
	vm1 =	vgt.s32 v18, $0xC37F;
	v20 =	vsel vm0, $0xFFFF3C80, v1  }
0x2a: {  	v22 =	vsel vm0, $0x2, v1;
	v21 =	vsel vm1, $0x1, v1;
	v19 =	vadd.s32 v19, v20  }
0x2b: {  	v20 =	vsel vm1, $0xFFFF3C80, v1;
	v21 =	vor.u32 v21, v22;
	[tilespmem:s0+$0x400] =	vst v19  }
0x2c: {  	v18 =	vadd.s32 v18, v20;
	[tilespmem:s0+$0x800] =	vst v21  }
0x2d: {  	[tilespmem:s0+$0x600] =	vst v18  }
0x2e: {  	_ =	swait.ge [sflag:s15], $0x200  }
0x2f: {  	[sflag:s15] =	ssyncset.done $0x0  }
0x30: {  	[sflag:s15] =	ssyncadd.s32 $0xFFFFFE00  }
0x31: {  	_ =	swait.ge [sflag:s15], $0x200  }
0x32: {  	[sflag:s15] =	ssyncset.done $0x0  }
0x33: {  	s3 =	simm.s32 $0x400;
	s14 =	simm.s32 $0xA00;
	[sflag:s15] =	ssyncadd.s32 $0xFFFFFE00  }
0x34: {  	[tilespmem:s14], [sflag:$0x1] =	stream.indirect.gather [hbm4b:s4+s16], $0x80, s3, s16, $0xb8;
	[tilespmem:$0x13000] =	vst v63  }
0x35: {  	s17 =	simm.s32 $0x600;
	s18 =	simm.s32 $0x8A00  }
0x36: {  	[tilespmem:s18], [sflag:$0x1] =	stream.indirect.gather [hbm4b:s5+s16], $0x80, s17, s16, $0xb8;
	[tilespmem:$0x13000] =	vst v63  }
0x37: {  	s19 =	simm.s32 $0x480  }
0x38: {  	[tilespmem:s22], [sflag:$0x2] =	stream.indirect.gather [hbm4b:s4+s16], $0x80, s19, s16, $0xb8;
	[tilespmem:$0x13000] =	vst v63  }
0x39: {  	s20 =	simm.s32 $0x680  }
0x3a: {  	[tilespmem:s24], [sflag:$0x2] =	stream.indirect.gather [hbm4b:s5+s16], $0x80, s20, s16, $0xb8;
	[tilespmem:$0x13000] =	vst v63  }
0x3b: {  	_ =	swait.ge [sflag:s25], $0x4000  }
0x3c: {  	[sflag:s25] =	ssyncset.done $0x0  }
0x3d: {  	[sflag:s25] =	ssyncadd.s32 $0xFFFFC000  }
0x3e: {  	_ =	swait.ge [sflag:s25], $0x4000  }
0x3f: {  	[sflag:s25] =	ssyncset.done $0x0  }
0x40: {  	s21 =	simm.s32 $0x8A40;
	[sflag:s25] =	ssyncadd.s32 $0xFFFFC000  }
0x41: {  	s23 =	simm.s32 $0xA40;
	v18 =	vld [tilespmem:s21+$0xFFFFFFC0]  }
0x42: {  	v19 =	vld [tilespmem:s23+$0x0]  }
0x43: {  	v20 =	vld [tilespmem:s23+$0x10]  }
0x44: {  	v21 =	vld [tilespmem:s23+$0x20]  }
0x45: {  	v22 =	vld [tilespmem:s21+$0x0]  }
0x46: {  	v23 =	vld [tilespmem:s21+$0x20]  }
0x47: {  	v24 =	vld [tilespmem:s23+$0xFFFFFFC0]  }
0x48: {  	v25 =	vld [tilespmem:s21+$0x10]  }
0x49: {  	v26 =	vld [tilespmem:s21+$0xFFFFFFD0]  }
0x4a: {  	v27 =	vld [tilespmem:s23+$0xFFFFFFD0]  }
0x4b: {  	v28 =	vld [tilespmem:s21+$0xFFFFFFE0]  }
0x4c: {  	v30 =	vld [tilespmem:s23+$0xFFFFFFE0];
	v29 =	vmul.f32 v18, v19;
	v31 =	vmul.f32 v23, v21  }
0x4d: {  	v32 =	vld [tilespmem:s21+$0xFFFFFFF0];
	v18 =	vmul.f32 v18, v24;
	v19 =	vmul.f32 v22, v19  }
0x4e: {  	v34 =	vld [tilespmem:s23+$0xFFFFFFF0];
	v33 =	vmul.f32 v25, v20;
	v20 =	vmul.f32 v26, v20  }
0x4f: {  	v35 =	vld [tilespmem:s21+$0x30];
	v26 =	vmul.f32 v26, v27;
	v22 =	vmul.f32 v22, v24  }
0x50: {  	v63 =	vld [tilespmem:s23+$0x30];
	v24 =	vmul.f32 v25, v27;
	v21 =	vmul.f32 v28, v21  }
0x51: {  	v19 =	vadd.f32 v33, v19;
	v25 =	vadd.f32 v26, v18;
	v26 =	vmul.f32 v28, v30  }
0x52: {  	s28 =	simm.s32 $0x10E00;
	s29 =	simm.s32 $0x10E10;
	v23 =	vmul.f32 v23, v30;
	v20 =	vadd.f32 v20, v29;
	v22 =	vadd.f32 v24, v22  }
0x53: {  	s31 =	simm.s32 $0xAC0;
	s1 =	simm.s32 $0x0;
	s0 =	simm.s32 $0x8AC0;
	v18 =	vadd.f32 v31, v19;
	v24 =	vadd.f32 v26, v25;
	v25 =	vmul.f32 v32, v34  }
0x54: {  	s14 =	simm.s32 $0x0;
	s3 =	simm.s32 $0x20;
	s17 =	simm.s32 $0x10;
	v19 =	vadd.f32 v21, v20;
	v22 =	vadd.f32 v23, v22;
	v23 =	vmul.f32 v35, v34  }
0x55: {  	s19 =	simm.s32 $0x10E10;
	s23 =	simm.s32 $0x8AC0;
	s21 =	simm.s32 $0xAC0;
	v20 =	vmul.f32 v35, v63;
	v21 =	vadd.f32 v25, v24;
	v24 =	vmul.f32 v32, v63  }
.LBB2_4:
0x56: {  	s29 =	sadd.s32 $0x10, s29  }
0x57: {  	s31 =	sadd.s32 $0x80, s31;
	s0 =	sadd.s32 $0x80, s0;
	v22 =	vadd.f32 v23, v22;
	s18 =	smov.u32 s3  }
0x58: {  	p0 =	sne.s32 s3, $0x7F0;
	s3 =	sadd.s32 $0x10, s3;
	s20 =	sand.u32 $0x7F0, s1;
	v19 =	vadd.f32 v24, v19;
	[tilespmem:s28+$0x0] =	vst v21  }
0x59: {  	s1 =	smov.u32 s17;
	v18 =	vadd.f32 v20, v18;
	s28 =	smov.u32 s19;
	s19 =	smov.u32 s29;
	[tilespmem:s20+$0x11600] =	vst v22  }
0x5a: {  	s17 =	smov.u32 s18;
	[tilespmem:s20+$0x11E00] =	vst v19  }
0x5b: {  	[tilespmem:s20+$0x12600] =	vst v18  }
0x5c: {  	v18 =	vld [tilespmem:s23+$0xFFFFFFC0]  }
0x5d: {  	v19 =	vld [tilespmem:s21+$0x0]  }
0x5e: {  	v20 =	vld [tilespmem:s21+$0x10]  }
0x5f: {  	v21 =	vld [tilespmem:s21+$0x20]  }
0x60: {  	v22 =	vld [tilespmem:s23+$0x0]  }
0x61: {  	v23 =	vld [tilespmem:s23+$0x20]  }
0x62: {  	v24 =	vld [tilespmem:s21+$0xFFFFFFC0];
	v25 =	vmul.f32 v18, v19  }
0x63: {  	v26 =	vld [tilespmem:s23+$0x10]  }
0x64: {  	v27 =	vld [tilespmem:s23+$0xFFFFFFD0]  }
0x65: {  	v28 =	vld [tilespmem:s21+$0xFFFFFFD0]  }
0x66: {  	v29 =	vld [tilespmem:s23+$0xFFFFFFE0];
	v30 =	vmul.f32 v23, v21  }
0x67: {  	v31 =	vld [tilespmem:s21+$0xFFFFFFE0];
	v18 =	vmul.f32 v18, v24  }
0x68: {  	v19 =	vmul.f32 v22, v19;
	v32 =	vld [tilespmem:s23+$0xFFFFFFF0];
	v33 =	vmul.f32 v26, v20  }
0x69: {  	v34 =	vld [tilespmem:s21+$0xFFFFFFF0];
	v20 =	vmul.f32 v27, v20  }
0x6a: {  	v22 =	vmul.f32 v22, v24;
	v35 =	vld [tilespmem:s23+$0x30];
	v24 =	vmul.f32 v27, v28;
	v19 =	vadd.f32 v33, v19;
	s23 =	smov.u32 s0  }
0x6b: {  	v26 =	vmul.f32 v26, v28;
	v27 =	vld [tilespmem:s21+$0x30];
	v20 =	vadd.f32 v20, v25;
	v21 =	vmul.f32 v29, v21;
	s21 =	smov.u32 s31  }
.Ltmp1:
0x6c: {  	v24 =	vadd.f32 v24, v18;
	v25 =	vmul.f32 v29, v31;
	v18 =	vadd.f32 v30, v19;
	(pc) =	sbr.rel @p0 .LBB2_4-.Ltmp1, $4  }
0x6d: {  	v22 =	vadd.f32 v26, v22;
	v23 =	vmul.f32 v23, v31  }
0x6e: {  	v19 =	vadd.f32 v21, v20;
	v24 =	vadd.f32 v25, v24;
	v20 =	vmul.f32 v32, v34  }
0x6f: {  	v22 =	vadd.f32 v23, v22;
	v23 =	vmul.f32 v35, v34  }
0x70: {  	v21 =	vadd.f32 v20, v24;
	v24 =	vmul.f32 v32, v27;
	v20 =	vmul.f32 v35, v27  }
0x71: {  	v22 =	vadd.f32 v23, v22  }
0x72: {  	s0 =	sand.u32 $0x7F0, s1;
	v19 =	vadd.f32 v24, v19;
	[tilespmem:s28+$0x0] =	vst v21  }
0x73: {  	v18 =	vadd.f32 v20, v18;
	[tilespmem:s0+$0x11600] =	vst v22  }
0x74: {  	[tilespmem:s0+$0x11E00] =	vst v19  }
0x75: {  	[tilespmem:s0+$0x12600] =	vst v18  }
0x76: {  	v18 =	vld [tilespmem:s23+$0xFFFFFFC0]  }
0x77: {  	v19 =	vld [tilespmem:s21+$0x0]  }
0x78: {  	v20 =	vld [tilespmem:s21+$0x10]  }
0x79: {  	v21 =	vld [tilespmem:s21+$0x20]  }
0x7a: {  	v22 =	vld [tilespmem:s23+$0x0]  }
0x7b: {  	v63 =	vld [tilespmem:s23+$0x20]  }
0x7c: {  	v36 =	vld [tilespmem:s21+$0xFFFFFFC0]  }
0x7d: {  	v25 =	vld [tilespmem:s23+$0x10]  }
0x7e: {  	v26 =	vld [tilespmem:s23+$0xFFFFFFD0]  }
0x7f: {  	v27 =	vld [tilespmem:s21+$0xFFFFFFD0]  }
0x80: {  	v28 =	vld [tilespmem:s23+$0xFFFFFFE0]  }
0x81: {  	v29 =	vld [tilespmem:s21+$0xFFFFFFE0]  }
0x82: {  	v32 =	vld [tilespmem:s23+$0xFFFFFFF0];
	v30 =	vmul.f32 v18, v19;
	v31 =	vmul.f32 v63, v21  }
0x83: {  	v33 =	vld [tilespmem:s21+$0xFFFFFFF0];
	v18 =	vmul.f32 v18, v36;
	v19 =	vmul.f32 v22, v19  }
0x84: {  	v35 =	vld [tilespmem:s23+$0x30];
	v34 =	vmul.f32 v26, v20;
	v26 =	vmul.f32 v26, v27  }
0x85: {  	v37 =	vld [tilespmem:s21+$0x30];
	v22 =	vmul.f32 v22, v36;
	v27 =	vmul.f32 v25, v27  }
0x86: {  	v20 =	vmul.f32 v25, v20;
	v38 =	vmul.f32 v28, v29;
	v18 =	vadd.f32 v26, v18  }
0x87: {  	v23 =	vmul.f32 v63, v29;
	v21 =	vmul.f32 v28, v21;
	v22 =	vadd.f32 v27, v22  }
0x88: {  	v40 =	vmul.f32 v32, v33;
	v39 =	vadd.f32 v34, v30;
	v18 =	vadd.f32 v38, v18  }
0x89: {  	v41 =	vmul.f32 v35, v33;
	v19 =	vadd.f32 v20, v19;
	v20 =	vadd.f32 v23, v22  }
0x8a: {  	v42 =	vmul.f32 v32, v37;
	v21 =	vadd.f32 v21, v39;
	v18 =	vadd.f32 v40, v18  }
0x8b: {  	v24 =	vmul.f32 v35, v37;
	v19 =	vadd.f32 v31, v19;
	v20 =	vadd.f32 v41, v20  }
0x8c: {  	s29 =	sand.u32 $0x7F0, s17;
	v21 =	vadd.f32 v42, v21;
	[tilespmem:s19+$0x0] =	vst v18  }
0x8d: {  	v18 =	vadd.f32 v24, v19;
	[tilespmem:s29+$0x11600] =	vst v20  }
0x8e: {  	[tilespmem:s29+$0x11E00] =	vst v21  }
0x8f: {  	s31 =	simm.s32 $0x800;
	[tilespmem:s29+$0x12600] =	vst v18  }
0x90: {  	v18 =	vld [tilespmem:s31+$0x0];
	_ =	sdelay $0x4  }
0x91: {  	v18 =	vshll.u32 v18, $0xB  }
0x92: {  	v18 =	vadd.s32 s14, v18  }
0x93: {  	v19 =	vor.u32 v0, v18;
	v20 =	vor.u32 v3, v18  }
0x94: {  	v19 =	vand.u32 v2, v19;
	_ =	sdelay $0x1  }
0x95: {  	v43 =	vor.u32 v4, v18;
	_ =	sdelay $0x1  }
0x96: {  	v44 =	vor.u32 v5, v18;
	v20 =	vld.idx.msk [tilespmem:v20+s26+$0x0], $0xffff  }
0x97: {  	v19 =	vld.idx.msk [tilespmem:v19+s26+$0x0], $0xffff  }
0x98: {  	v45 =	vor.u32 v6, v18  }
0x99: {  	v21 =	vld.idx.msk [tilespmem:v43+s26+$0x0], $0xffff  }
0x9a: {  	v46 =	vor.u32 v7, v18  }
0x9b: {  	v22 =	vld.idx.msk [tilespmem:v44+s26+$0x0], $0xffff  }
0x9c: {  	v47 =	vor.u32 v8, v18;
	v19 =	vadd.f32 v20, v19  }
0x9d: {  	v20 =	vld.idx.msk [tilespmem:v45+s26+$0x0], $0xffff  }
0x9e: {  	v48 =	vor.u32 v9, v18;
	v19 =	vadd.f32 v21, v19  }
0x9f: {  	v49 =	vld.idx.msk [tilespmem:v46+s26+$0x0], $0xffff  }
0xa0: {  	v50 =	vor.u32 v10, v18;
	v19 =	vadd.f32 v22, v19  }
0xa1: {  	v51 =	vld.idx.msk [tilespmem:v47+s26+$0x0], $0xffff  }
0xa2: {  	v52 =	vor.u32 v11, v18;
	v19 =	vadd.f32 v20, v19  }
0xa3: {  	v20 =	vld.idx.msk [tilespmem:v48+s26+$0x0], $0xffff  }
0xa4: {  	v53 =	vor.u32 v12, v18;
	v19 =	vadd.f32 v49, v19  }
0xa5: {  	v54 =	vld.idx.msk [tilespmem:v50+s26+$0x0], $0xffff  }
0xa6: {  	v55 =	vor.u32 v13, v18;
	v19 =	vadd.f32 v51, v19  }
0xa7: {  	v56 =	vld.idx.msk [tilespmem:v52+s26+$0x0], $0xffff  }
0xa8: {  	v57 =	vor.u32 v14, v18;
	v19 =	vadd.f32 v20, v19  }
0xa9: {  	v20 =	vld.idx.msk [tilespmem:v53+s26+$0x0], $0xffff  }
0xaa: {  	v58 =	vor.u32 v15, v18;
	v19 =	vadd.f32 v54, v19  }
0xab: {  	v59 =	vld.idx.msk [tilespmem:v55+s26+$0x0], $0xffff  }
0xac: {  	v60 =	vor.u32 v16, v18;
	v19 =	vadd.f32 v56, v19  }
0xad: {  	v61 =	vld.idx.msk [tilespmem:v57+s26+$0x0], $0xffff  }
0xae: {  	v18 =	vor.u32 v17, v18;
	v19 =	vadd.f32 v20, v19  }
0xaf: {  	v20 =	vld.idx.msk [tilespmem:v58+s26+$0x0], $0xffff  }
0xb0: {  	v19 =	vadd.f32 v59, v19  }
0xb1: {  	v62 =	vld.idx.msk [tilespmem:v60+s26+$0x0], $0xffff  }
0xb2: {  	v19 =	vadd.f32 v61, v19  }
0xb3: {  	v18 =	vld.idx.msk [tilespmem:v18+s26+$0x0], $0xffff  }
0xb4: {  	s14 =	simm.s32 $0x10A00;
	v19 =	vadd.f32 v20, v19  }
0xb5: {  	v20 =	vld [tilespmem:s14+$0x0]  }
0xb6: {  	s17 =	simm.s32 $0x10C00;
	v19 =	vadd.f32 v62, v19  }
0xb7: {  	v63 =	vld [tilespmem:s17+$0x0]  }
0xb8: {  	v18 =	vadd.f32 v18, v19;
	_ =	sdelay $0x1  }
0xb9: {  	v18 =	vadd.f32 v20, v18;
	_ =	sdelay $0x1  }
0xba: {  	v18 =	vadd.f32 v63, v18  }
0xbb: {  	s19 =	simm.s32 $0x12E00  }
0xbc: {  	s23 =	simm.s32 $0x810;
	[tilespmem:s19+$0x0] =	vst v18  }
0xbd: {  	s28 =	simm.s32 $0x200;
	s21 =	simm.s32 $0x100;
	v18 =	vld [tilespmem:s23+$0x0]  }
.LBB2_6:
0xbe: {  	p0 =	sne.s32 s28, $0x700;
	_ =	sdelay $0x3  }
0xbf: {  	v18 =	vshll.u32 v18, $0xB  }
0xc0: {  	v18 =	vadd.s32 s21, v18;
	s21 =	smov.u32 s28  }
0xc1: {  	v19 =	vor.u32 v0, v18;
	v20 =	vor.u32 v3, v18  }
0xc2: {  	v19 =	vand.u32 v2, v19;
	_ =	sdelay $0x1  }
0xc3: {  	v21 =	vor.u32 v4, v18;
	_ =	sdelay $0x1  }
0xc4: {  	v22 =	vor.u32 v5, v18;
	v20 =	vld.idx.msk [tilespmem:v20+s26+$0x0], $0xffff  }
0xc5: {  	v19 =	vld.idx.msk [tilespmem:v19+s26+$0x0], $0xffff  }
0xc6: {  	v23 =	vor.u32 v6, v18  }
0xc7: {  	v21 =	vld.idx.msk [tilespmem:v21+s26+$0x0], $0xffff  }
0xc8: {  	v24 =	vor.u32 v7, v18  }
0xc9: {  	v22 =	vld.idx.msk [tilespmem:v22+s26+$0x0], $0xffff  }
0xca: {  	v25 =	vor.u32 v8, v18  }
0xcb: {  	v19 =	vadd.f32 v20, v19;
	v20 =	vld.idx.msk [tilespmem:v23+s26+$0x0], $0xffff  }
0xcc: {  	v23 =	vor.u32 v9, v18  }
0xcd: {  	v19 =	vadd.f32 v21, v19;
	v21 =	vld.idx.msk [tilespmem:v24+s26+$0x0], $0xffff  }
0xce: {  	v24 =	vor.u32 v10, v18  }
0xcf: {  	v19 =	vadd.f32 v22, v19;
	v22 =	vld.idx.msk [tilespmem:v25+s26+$0x0], $0xffff  }
0xd0: {  	v25 =	vor.u32 v11, v18  }
0xd1: {  	v19 =	vadd.f32 v20, v19;
	v20 =	vld.idx.msk [tilespmem:v23+s26+$0x0], $0xffff  }
0xd2: {  	v23 =	vor.u32 v12, v18  }
0xd3: {  	v19 =	vadd.f32 v21, v19;
	v21 =	vld.idx.msk [tilespmem:v24+s26+$0x0], $0xffff  }
0xd4: {  	v24 =	vor.u32 v13, v18  }
0xd5: {  	v19 =	vadd.f32 v22, v19;
	v22 =	vld.idx.msk [tilespmem:v25+s26+$0x0], $0xffff  }
0xd6: {  	v25 =	vor.u32 v14, v18  }
0xd7: {  	v19 =	vadd.f32 v20, v19;
	v20 =	vld.idx.msk [tilespmem:v23+s26+$0x0], $0xffff  }
0xd8: {  	v23 =	vor.u32 v15, v18  }
0xd9: {  	v19 =	vadd.f32 v21, v19;
	v21 =	vld.idx.msk [tilespmem:v24+s26+$0x0], $0xffff  }
0xda: {  	v24 =	vor.u32 v16, v18  }
0xdb: {  	v19 =	vadd.f32 v22, v19;
	v22 =	vld.idx.msk [tilespmem:v25+s26+$0x0], $0xffff  }
0xdc: {  	v18 =	vor.u32 v17, v18  }
0xdd: {  	v19 =	vadd.f32 v20, v19;
	v20 =	vld.idx.msk [tilespmem:v23+s26+$0x0], $0xffff;
	_ =	sdelay $0x1  }
0xde: {  	v19 =	vadd.f32 v21, v19;
	v21 =	vld.idx.msk [tilespmem:v24+s26+$0x0], $0xffff;
	_ =	sdelay $0x1  }
0xdf: {  	v19 =	vadd.f32 v22, v19;
	v18 =	vld.idx.msk [tilespmem:v18+s26+$0x0], $0xffff;
	_ =	sdelay $0x1  }
0xe0: {  	s14 =	sadd.s32 $0x10, s14;
	v19 =	vadd.f32 v20, v19  }
0xe1: {  	v20 =	vld [tilespmem:s14+$0x0]  }
0xe2: {  	s17 =	sadd.s32 $0x10, s17;
	v19 =	vadd.f32 v21, v19  }
0xe3: {  	v21 =	vld [tilespmem:s17+$0x0]  }
0xe4: {  	v18 =	vadd.f32 v18, v19;
	_ =	sdelay $0x1  }
0xe5: {  	v18 =	vadd.f32 v20, v18  }
.Ltmp2:
0xe6: {  	(pc) =	sbr.rel @p0 .LBB2_6-.Ltmp2, $4  }
0xe7: {  	v18 =	vadd.f32 v21, v18  }
0xe8: {  	s19 =	sadd.s32 $0x10, s19  }
0xe9: {  	s23 =	sadd.s32 $0x10, s23;
	[tilespmem:s19+$0x0] =	vst v18  }
0xea: {  	s28 =	sadd.s32 $0x100, s28;
	v18 =	vld [tilespmem:s23+$0x0]  }
0xeb: {  	_ =	sdelay $0x3  }
0xec: {  	v18 =	vshll.u32 v18, $0xB  }
0xed: {  	v18 =	vadd.s32 s21, v18  }
0xee: {  	v19 =	vor.u32 v0, v18;
	v20 =	vor.u32 v3, v18  }
0xef: {  	v19 =	vand.u32 v2, v19;
	_ =	sdelay $0x1  }
0xf0: {  	v21 =	vor.u32 v4, v18;
	_ =	sdelay $0x1  }
0xf1: {  	v22 =	vor.u32 v5, v18;
	v20 =	vld.idx.msk [tilespmem:v20+s26+$0x0], $0xffff  }
0xf2: {  	v19 =	vld.idx.msk [tilespmem:v19+s26+$0x0], $0xffff  }
0xf3: {  	v23 =	vor.u32 v6, v18  }
0xf4: {  	v21 =	vld.idx.msk [tilespmem:v21+s26+$0x0], $0xffff  }
0xf5: {  	v24 =	vor.u32 v7, v18  }
0xf6: {  	v22 =	vld.idx.msk [tilespmem:v22+s26+$0x0], $0xffff  }
0xf7: {  	v25 =	vor.u32 v8, v18;
	v19 =	vadd.f32 v20, v19  }
0xf8: {  	v20 =	vld.idx.msk [tilespmem:v23+s26+$0x0], $0xffff  }
0xf9: {  	v23 =	vor.u32 v9, v18;
	v19 =	vadd.f32 v21, v19  }
0xfa: {  	v21 =	vld.idx.msk [tilespmem:v24+s26+$0x0], $0xffff  }
0xfb: {  	v24 =	vor.u32 v10, v18;
	v19 =	vadd.f32 v22, v19  }
0xfc: {  	v22 =	vld.idx.msk [tilespmem:v25+s26+$0x0], $0xffff  }
0xfd: {  	v25 =	vor.u32 v11, v18;
	v19 =	vadd.f32 v20, v19  }
0xfe: {  	v20 =	vld.idx.msk [tilespmem:v23+s26+$0x0], $0xffff  }
0xff: {  	v23 =	vor.u32 v12, v18;
	v19 =	vadd.f32 v21, v19  }
0x100: {  	v21 =	vld.idx.msk [tilespmem:v24+s26+$0x0], $0xffff  }
0x101: {  	v24 =	vor.u32 v13, v18;
	v19 =	vadd.f32 v22, v19  }
0x102: {  	v22 =	vld.idx.msk [tilespmem:v25+s26+$0x0], $0xffff  }
0x103: {  	v25 =	vor.u32 v14, v18;
	v19 =	vadd.f32 v20, v19  }
0x104: {  	v20 =	vld.idx.msk [tilespmem:v23+s26+$0x0], $0xffff  }
0x105: {  	v23 =	vor.u32 v15, v18;
	v19 =	vadd.f32 v21, v19  }
0x106: {  	v21 =	vld.idx.msk [tilespmem:v24+s26+$0x0], $0xffff  }
0x107: {  	v24 =	vor.u32 v16, v18;
	v19 =	vadd.f32 v22, v19  }
0x108: {  	v22 =	vld.idx.msk [tilespmem:v25+s26+$0x0], $0xffff  }
0x109: {  	v18 =	vor.u32 v17, v18;
	v19 =	vadd.f32 v20, v19  }
0x10a: {  	v20 =	vld.idx.msk [tilespmem:v23+s26+$0x0], $0xffff  }
0x10b: {  	v19 =	vadd.f32 v21, v19  }
0x10c: {  	v21 =	vld.idx.msk [tilespmem:v24+s26+$0x0], $0xffff  }
0x10d: {  	v19 =	vadd.f32 v22, v19  }
0x10e: {  	v18 =	vld.idx.msk [tilespmem:v18+s26+$0x0], $0xffff  }
0x10f: {  	s0 =	sadd.s32 $0x10, s14;
	v19 =	vadd.f32 v20, v19  }
0x110: {  	v20 =	vld [tilespmem:s0+$0x0]  }
0x111: {  	s14 =	sadd.s32 $0x10, s17;
	v19 =	vadd.f32 v21, v19  }
0x112: {  	v21 =	vld [tilespmem:s14+$0x0]  }
0x113: {  	v18 =	vadd.f32 v18, v19;
	_ =	sdelay $0x1  }
0x114: {  	v18 =	vadd.f32 v20, v18;
	_ =	sdelay $0x1  }
0x115: {  	v18 =	vadd.f32 v21, v18  }
0x116: {  	s17 =	sadd.s32 $0x10, s19  }
0x117: {  	s18 =	simm.s32 $0xA00;
	s1 =	simm.s32 $0x500;
	[tilespmem:s17+$0x0] =	vst v18  }
0x118: {  	[tilespmem:s18], [sflag:$0x1] =	stream.indirect.gather [hbm4b:s4+s16], $0x80, s1, s16, $0xb8;
	[tilespmem:$0x13000] =	vst v63  }
0x119: {  	s19 =	simm.s32 $0x8A00;
	s20 =	simm.s32 $0x700  }
0x11a: {  	[tilespmem:s19], [sflag:$0x1] =	stream.indirect.gather [hbm4b:s5+s16], $0x80, s20, s16, $0xb8;
	[tilespmem:$0x13000] =	vst v63  }
0x11b: {  	_ =	swait.ge [sflag:s30], $0x4000  }
0x11c: {  	[sflag:s30] =	ssyncset.done $0x0  }
0x11d: {  	[sflag:s30] =	ssyncadd.s32 $0xFFFFC000  }
0x11e: {  	_ =	swait.ge [sflag:s30], $0x4000  }
0x11f: {  	[sflag:s30] =	ssyncset.done $0x0  }
0x120: {  	s21 =	simm.s32 $0xCA40;
	[sflag:s30] =	ssyncadd.s32 $0xFFFFC000  }
0x121: {  	s23 =	simm.s32 $0x4A40;
	v18 =	vld [tilespmem:s21+$0xFFFFFFC0]  }
0x122: {  	v19 =	vld [tilespmem:s23+$0x0]  }
0x123: {  	v20 =	vld [tilespmem:s23+$0x10]  }
0x124: {  	v21 =	vld [tilespmem:s23+$0x20]  }
0x125: {  	v22 =	vld [tilespmem:s21+$0x0]  }
0x126: {  	v23 =	vld [tilespmem:s21+$0x20]  }
0x127: {  	v24 =	vld [tilespmem:s23+$0xFFFFFFC0]  }
0x128: {  	v25 =	vld [tilespmem:s21+$0x10]  }
0x129: {  	v26 =	vld [tilespmem:s21+$0xFFFFFFD0]  }
0x12a: {  	v27 =	vld [tilespmem:s23+$0xFFFFFFD0]  }
0x12b: {  	v28 =	vld [tilespmem:s21+$0xFFFFFFE0]  }
0x12c: {  	v30 =	vld [tilespmem:s23+$0xFFFFFFE0];
	v29 =	vmul.f32 v18, v19;
	v31 =	vmul.f32 v23, v21  }
0x12d: {  	v32 =	vld [tilespmem:s21+$0xFFFFFFF0];
	v18 =	vmul.f32 v18, v24;
	v19 =	vmul.f32 v22, v19  }
0x12e: {  	v34 =	vld [tilespmem:s23+$0xFFFFFFF0];
	v33 =	vmul.f32 v25, v20;
	v20 =	vmul.f32 v26, v20  }
0x12f: {  	v35 =	vld [tilespmem:s21+$0x30];
	v26 =	vmul.f32 v26, v27;
	v22 =	vmul.f32 v22, v24  }
0x130: {  	v63 =	vld [tilespmem:s23+$0x30];
	v24 =	vmul.f32 v25, v27;
	v21 =	vmul.f32 v28, v21  }
0x131: {  	v19 =	vadd.f32 v33, v19;
	v25 =	vadd.f32 v26, v18;
	v26 =	vmul.f32 v28, v30  }
0x132: {  	s28 =	simm.s32 $0x10E00;
	s29 =	simm.s32 $0x10E10;
	v23 =	vmul.f32 v23, v30;
	v20 =	vadd.f32 v20, v29;
	v22 =	vadd.f32 v24, v22  }
0x133: {  	s31 =	simm.s32 $0x4AC0;
	s3 =	simm.s32 $0x20;
	s0 =	simm.s32 $0xCAC0;
	v18 =	vadd.f32 v31, v19;
	v24 =	vadd.f32 v26, v25;
	v25 =	vmul.f32 v32, v34  }
0x134: {  	s14 =	simm.s32 $0x0;
	s17 =	simm.s32 $0x10;
	s1 =	simm.s32 $0x0;
	v19 =	vadd.f32 v21, v20;
	v22 =	vadd.f32 v23, v22;
	v23 =	vmul.f32 v35, v34  }
0x135: {  	s19 =	simm.s32 $0x10E10;
	s23 =	simm.s32 $0xCAC0;
	s21 =	simm.s32 $0x4AC0;
	v20 =	vmul.f32 v35, v63;
	v21 =	vadd.f32 v25, v24;
	v24 =	vmul.f32 v32, v63  }
.LBB2_8:
0x136: {  	s29 =	sadd.s32 $0x10, s29  }
0x137: {  	s31 =	sadd.s32 $0x80, s31;
	s0 =	sadd.s32 $0x80, s0;
	v22 =	vadd.f32 v23, v22;
	s18 =	smov.u32 s3  }
0x138: {  	p0 =	sne.s32 s3, $0x7F0;
	s3 =	sadd.s32 $0x10, s3;
	s20 =	sand.u32 $0x7F0, s1;
	v19 =	vadd.f32 v24, v19;
	[tilespmem:s28+$0x0] =	vst v21  }
0x139: {  	s1 =	smov.u32 s17;
	v18 =	vadd.f32 v20, v18;
	s28 =	smov.u32 s19;
	s19 =	smov.u32 s29;
	[tilespmem:s20+$0x11600] =	vst v22  }
0x13a: {  	s17 =	smov.u32 s18;
	[tilespmem:s20+$0x11E00] =	vst v19  }
0x13b: {  	[tilespmem:s20+$0x12600] =	vst v18  }
0x13c: {  	v18 =	vld [tilespmem:s23+$0xFFFFFFC0]  }
0x13d: {  	v19 =	vld [tilespmem:s21+$0x0]  }
0x13e: {  	v20 =	vld [tilespmem:s21+$0x10]  }
0x13f: {  	v21 =	vld [tilespmem:s21+$0x20]  }
0x140: {  	v22 =	vld [tilespmem:s23+$0x0]  }
0x141: {  	v23 =	vld [tilespmem:s23+$0x20]  }
0x142: {  	v24 =	vld [tilespmem:s21+$0xFFFFFFC0];
	v25 =	vmul.f32 v18, v19  }
0x143: {  	v26 =	vld [tilespmem:s23+$0x10]  }
0x144: {  	v27 =	vld [tilespmem:s23+$0xFFFFFFD0]  }
0x145: {  	v28 =	vld [tilespmem:s21+$0xFFFFFFD0]  }
0x146: {  	v29 =	vld [tilespmem:s23+$0xFFFFFFE0];
	v30 =	vmul.f32 v23, v21  }
0x147: {  	v31 =	vld [tilespmem:s21+$0xFFFFFFE0];
	v18 =	vmul.f32 v18, v24  }
0x148: {  	v19 =	vmul.f32 v22, v19;
	v32 =	vld [tilespmem:s23+$0xFFFFFFF0];
	v33 =	vmul.f32 v26, v20  }
0x149: {  	v34 =	vld [tilespmem:s21+$0xFFFFFFF0];
	v20 =	vmul.f32 v27, v20  }
0x14a: {  	v22 =	vmul.f32 v22, v24;
	v35 =	vld [tilespmem:s23+$0x30];
	v24 =	vmul.f32 v27, v28;
	v19 =	vadd.f32 v33, v19;
	s23 =	smov.u32 s0  }
0x14b: {  	v26 =	vmul.f32 v26, v28;
	v27 =	vld [tilespmem:s21+$0x30];
	v20 =	vadd.f32 v20, v25;
	v21 =	vmul.f32 v29, v21;
	s21 =	smov.u32 s31  }
.Ltmp3:
0x14c: {  	v24 =	vadd.f32 v24, v18;
	v25 =	vmul.f32 v29, v31;
	v18 =	vadd.f32 v30, v19;
	(pc) =	sbr.rel @p0 .LBB2_8-.Ltmp3, $4  }
0x14d: {  	v22 =	vadd.f32 v26, v22;
	v23 =	vmul.f32 v23, v31  }
0x14e: {  	v19 =	vadd.f32 v21, v20;
	v24 =	vadd.f32 v25, v24;
	v20 =	vmul.f32 v32, v34  }
0x14f: {  	v22 =	vadd.f32 v23, v22;
	v23 =	vmul.f32 v35, v34  }
0x150: {  	v21 =	vadd.f32 v20, v24;
	v24 =	vmul.f32 v32, v27;
	v20 =	vmul.f32 v35, v27  }
0x151: {  	v22 =	vadd.f32 v23, v22  }
0x152: {  	s0 =	sand.u32 $0x7F0, s1;
	v19 =	vadd.f32 v24, v19;
	[tilespmem:s28+$0x0] =	vst v21  }
0x153: {  	v18 =	vadd.f32 v20, v18;
	[tilespmem:s0+$0x11600] =	vst v22  }
0x154: {  	[tilespmem:s0+$0x11E00] =	vst v19  }
0x155: {  	[tilespmem:s0+$0x12600] =	vst v18  }
0x156: {  	v18 =	vld [tilespmem:s23+$0xFFFFFFC0]  }
0x157: {  	v19 =	vld [tilespmem:s21+$0x0]  }
0x158: {  	v20 =	vld [tilespmem:s21+$0x10]  }
0x159: {  	v21 =	vld [tilespmem:s21+$0x20]  }
0x15a: {  	v22 =	vld [tilespmem:s23+$0x0]  }
0x15b: {  	v63 =	vld [tilespmem:s23+$0x20]  }
0x15c: {  	v36 =	vld [tilespmem:s21+$0xFFFFFFC0]  }
0x15d: {  	v25 =	vld [tilespmem:s23+$0x10]  }
0x15e: {  	v26 =	vld [tilespmem:s23+$0xFFFFFFD0]  }
0x15f: {  	v27 =	vld [tilespmem:s21+$0xFFFFFFD0]  }
0x160: {  	v28 =	vld [tilespmem:s23+$0xFFFFFFE0]  }
0x161: {  	v29 =	vld [tilespmem:s21+$0xFFFFFFE0]  }
0x162: {  	v32 =	vld [tilespmem:s23+$0xFFFFFFF0];
	v30 =	vmul.f32 v18, v19;
	v31 =	vmul.f32 v63, v21  }
0x163: {  	v33 =	vld [tilespmem:s21+$0xFFFFFFF0];
	v18 =	vmul.f32 v18, v36;
	v19 =	vmul.f32 v22, v19  }
0x164: {  	v35 =	vld [tilespmem:s23+$0x30];
	v34 =	vmul.f32 v26, v20;
	v26 =	vmul.f32 v26, v27  }
0x165: {  	v37 =	vld [tilespmem:s21+$0x30];
	v22 =	vmul.f32 v22, v36;
	v27 =	vmul.f32 v25, v27  }
0x166: {  	v20 =	vmul.f32 v25, v20;
	v38 =	vmul.f32 v28, v29;
	v18 =	vadd.f32 v26, v18  }
0x167: {  	v23 =	vmul.f32 v63, v29;
	v21 =	vmul.f32 v28, v21;
	v22 =	vadd.f32 v27, v22  }
0x168: {  	v40 =	vmul.f32 v32, v33;
	v39 =	vadd.f32 v34, v30;
	v18 =	vadd.f32 v38, v18  }
0x169: {  	v41 =	vmul.f32 v35, v33;
	v19 =	vadd.f32 v20, v19;
	v20 =	vadd.f32 v23, v22  }
0x16a: {  	v42 =	vmul.f32 v32, v37;
	v21 =	vadd.f32 v21, v39;
	v18 =	vadd.f32 v40, v18  }
0x16b: {  	v24 =	vmul.f32 v35, v37;
	v19 =	vadd.f32 v31, v19;
	v20 =	vadd.f32 v41, v20  }
0x16c: {  	s29 =	sand.u32 $0x7F0, s17;
	v21 =	vadd.f32 v42, v21;
	[tilespmem:s19+$0x0] =	vst v18  }
0x16d: {  	v18 =	vadd.f32 v24, v19;
	[tilespmem:s29+$0x11600] =	vst v20  }
0x16e: {  	[tilespmem:s29+$0x11E00] =	vst v21  }
0x16f: {  	s31 =	simm.s32 $0x880;
	[tilespmem:s29+$0x12600] =	vst v18  }
0x170: {  	v18 =	vld [tilespmem:s31+$0x0];
	_ =	sdelay $0x4  }
0x171: {  	v18 =	vshll.u32 v18, $0xB  }
0x172: {  	v18 =	vadd.s32 s14, v18  }
0x173: {  	v19 =	vor.u32 v0, v18;
	v20 =	vor.u32 v3, v18  }
0x174: {  	v19 =	vand.u32 v2, v19;
	_ =	sdelay $0x1  }
0x175: {  	v43 =	vor.u32 v4, v18;
	_ =	sdelay $0x1  }
0x176: {  	v44 =	vor.u32 v5, v18;
	v20 =	vld.idx.msk [tilespmem:v20+s26+$0x0], $0xffff  }
0x177: {  	v19 =	vld.idx.msk [tilespmem:v19+s26+$0x0], $0xffff  }
0x178: {  	v45 =	vor.u32 v6, v18  }
0x179: {  	v21 =	vld.idx.msk [tilespmem:v43+s26+$0x0], $0xffff  }
0x17a: {  	v46 =	vor.u32 v7, v18  }
0x17b: {  	v22 =	vld.idx.msk [tilespmem:v44+s26+$0x0], $0xffff  }
0x17c: {  	v47 =	vor.u32 v8, v18;
	v19 =	vadd.f32 v20, v19  }
0x17d: {  	v20 =	vld.idx.msk [tilespmem:v45+s26+$0x0], $0xffff  }
0x17e: {  	v48 =	vor.u32 v9, v18;
	v19 =	vadd.f32 v21, v19  }
0x17f: {  	v49 =	vld.idx.msk [tilespmem:v46+s26+$0x0], $0xffff  }
0x180: {  	v50 =	vor.u32 v10, v18;
	v19 =	vadd.f32 v22, v19  }
0x181: {  	v51 =	vld.idx.msk [tilespmem:v47+s26+$0x0], $0xffff  }
0x182: {  	v52 =	vor.u32 v11, v18;
	v19 =	vadd.f32 v20, v19  }
0x183: {  	v20 =	vld.idx.msk [tilespmem:v48+s26+$0x0], $0xffff  }
0x184: {  	v53 =	vor.u32 v12, v18;
	v19 =	vadd.f32 v49, v19  }
0x185: {  	v54 =	vld.idx.msk [tilespmem:v50+s26+$0x0], $0xffff  }
0x186: {  	v55 =	vor.u32 v13, v18;
	v19 =	vadd.f32 v51, v19  }
0x187: {  	v56 =	vld.idx.msk [tilespmem:v52+s26+$0x0], $0xffff  }
0x188: {  	v57 =	vor.u32 v14, v18;
	v19 =	vadd.f32 v20, v19  }
0x189: {  	v20 =	vld.idx.msk [tilespmem:v53+s26+$0x0], $0xffff  }
0x18a: {  	v58 =	vor.u32 v15, v18;
	v19 =	vadd.f32 v54, v19  }
0x18b: {  	v59 =	vld.idx.msk [tilespmem:v55+s26+$0x0], $0xffff  }
0x18c: {  	v60 =	vor.u32 v16, v18;
	v19 =	vadd.f32 v56, v19  }
0x18d: {  	v61 =	vld.idx.msk [tilespmem:v57+s26+$0x0], $0xffff  }
0x18e: {  	v18 =	vor.u32 v17, v18;
	v19 =	vadd.f32 v20, v19  }
0x18f: {  	v20 =	vld.idx.msk [tilespmem:v58+s26+$0x0], $0xffff  }
0x190: {  	v19 =	vadd.f32 v59, v19  }
0x191: {  	v62 =	vld.idx.msk [tilespmem:v60+s26+$0x0], $0xffff  }
0x192: {  	v19 =	vadd.f32 v61, v19  }
0x193: {  	v18 =	vld.idx.msk [tilespmem:v18+s26+$0x0], $0xffff  }
0x194: {  	s14 =	simm.s32 $0x10A80;
	v19 =	vadd.f32 v20, v19  }
0x195: {  	v20 =	vld [tilespmem:s14+$0x0]  }
0x196: {  	s17 =	simm.s32 $0x10C80;
	v19 =	vadd.f32 v62, v19  }
0x197: {  	v63 =	vld [tilespmem:s17+$0x0]  }
0x198: {  	v18 =	vadd.f32 v18, v19;
	_ =	sdelay $0x1  }
0x199: {  	v18 =	vadd.f32 v20, v18;
	_ =	sdelay $0x1  }
0x19a: {  	v18 =	vadd.f32 v63, v18  }
0x19b: {  	s19 =	simm.s32 $0x12E80  }
0x19c: {  	s23 =	simm.s32 $0x890;
	[tilespmem:s19+$0x0] =	vst v18  }
0x19d: {  	s28 =	simm.s32 $0x200;
	s21 =	simm.s32 $0x100;
	v18 =	vld [tilespmem:s23+$0x0]  }
.LBB2_10:
0x19e: {  	p0 =	sne.s32 s28, $0x700;
	_ =	sdelay $0x3  }
0x19f: {  	v18 =	vshll.u32 v18, $0xB  }
0x1a0: {  	v18 =	vadd.s32 s21, v18;
	s21 =	smov.u32 s28  }
0x1a1: {  	v19 =	vor.u32 v0, v18;
	v20 =	vor.u32 v3, v18  }
0x1a2: {  	v19 =	vand.u32 v2, v19;
	_ =	sdelay $0x1  }
0x1a3: {  	v21 =	vor.u32 v4, v18;
	_ =	sdelay $0x1  }
0x1a4: {  	v22 =	vor.u32 v5, v18;
	v20 =	vld.idx.msk [tilespmem:v20+s26+$0x0], $0xffff  }
0x1a5: {  	v19 =	vld.idx.msk [tilespmem:v19+s26+$0x0], $0xffff  }
0x1a6: {  	v23 =	vor.u32 v6, v18  }
0x1a7: {  	v21 =	vld.idx.msk [tilespmem:v21+s26+$0x0], $0xffff  }
0x1a8: {  	v24 =	vor.u32 v7, v18  }
0x1a9: {  	v22 =	vld.idx.msk [tilespmem:v22+s26+$0x0], $0xffff  }
0x1aa: {  	v25 =	vor.u32 v8, v18  }
0x1ab: {  	v19 =	vadd.f32 v20, v19;
	v20 =	vld.idx.msk [tilespmem:v23+s26+$0x0], $0xffff  }
0x1ac: {  	v23 =	vor.u32 v9, v18  }
0x1ad: {  	v19 =	vadd.f32 v21, v19;
	v21 =	vld.idx.msk [tilespmem:v24+s26+$0x0], $0xffff  }
0x1ae: {  	v24 =	vor.u32 v10, v18  }
0x1af: {  	v19 =	vadd.f32 v22, v19;
	v22 =	vld.idx.msk [tilespmem:v25+s26+$0x0], $0xffff  }
0x1b0: {  	v25 =	vor.u32 v11, v18  }
0x1b1: {  	v19 =	vadd.f32 v20, v19;
	v20 =	vld.idx.msk [tilespmem:v23+s26+$0x0], $0xffff  }
0x1b2: {  	v23 =	vor.u32 v12, v18  }
0x1b3: {  	v19 =	vadd.f32 v21, v19;
	v21 =	vld.idx.msk [tilespmem:v24+s26+$0x0], $0xffff  }
0x1b4: {  	v24 =	vor.u32 v13, v18  }
0x1b5: {  	v19 =	vadd.f32 v22, v19;
	v22 =	vld.idx.msk [tilespmem:v25+s26+$0x0], $0xffff  }
0x1b6: {  	v25 =	vor.u32 v14, v18  }
0x1b7: {  	v19 =	vadd.f32 v20, v19;
	v20 =	vld.idx.msk [tilespmem:v23+s26+$0x0], $0xffff  }
0x1b8: {  	v23 =	vor.u32 v15, v18  }
0x1b9: {  	v19 =	vadd.f32 v21, v19;
	v21 =	vld.idx.msk [tilespmem:v24+s26+$0x0], $0xffff  }
0x1ba: {  	v24 =	vor.u32 v16, v18  }
0x1bb: {  	v19 =	vadd.f32 v22, v19;
	v22 =	vld.idx.msk [tilespmem:v25+s26+$0x0], $0xffff  }
0x1bc: {  	v18 =	vor.u32 v17, v18  }
0x1bd: {  	v19 =	vadd.f32 v20, v19;
	v20 =	vld.idx.msk [tilespmem:v23+s26+$0x0], $0xffff;
	_ =	sdelay $0x1  }
0x1be: {  	v19 =	vadd.f32 v21, v19;
	v21 =	vld.idx.msk [tilespmem:v24+s26+$0x0], $0xffff;
	_ =	sdelay $0x1  }
0x1bf: {  	v19 =	vadd.f32 v22, v19;
	v18 =	vld.idx.msk [tilespmem:v18+s26+$0x0], $0xffff;
	_ =	sdelay $0x1  }
0x1c0: {  	s14 =	sadd.s32 $0x10, s14;
	v19 =	vadd.f32 v20, v19  }
0x1c1: {  	v20 =	vld [tilespmem:s14+$0x0]  }
0x1c2: {  	s17 =	sadd.s32 $0x10, s17;
	v19 =	vadd.f32 v21, v19  }
0x1c3: {  	v21 =	vld [tilespmem:s17+$0x0]  }
0x1c4: {  	v18 =	vadd.f32 v18, v19;
	_ =	sdelay $0x1  }
0x1c5: {  	v18 =	vadd.f32 v20, v18  }
.Ltmp4:
0x1c6: {  	(pc) =	sbr.rel @p0 .LBB2_10-.Ltmp4, $4  }
0x1c7: {  	v18 =	vadd.f32 v21, v18  }
0x1c8: {  	s19 =	sadd.s32 $0x10, s19  }
0x1c9: {  	s23 =	sadd.s32 $0x10, s23;
	[tilespmem:s19+$0x0] =	vst v18  }
0x1ca: {  	s28 =	sadd.s32 $0x100, s28;
	v18 =	vld [tilespmem:s23+$0x0]  }
0x1cb: {  	_ =	sdelay $0x3  }
0x1cc: {  	v18 =	vshll.u32 v18, $0xB  }
0x1cd: {  	v18 =	vadd.s32 s21, v18  }
0x1ce: {  	v19 =	vor.u32 v0, v18;
	v20 =	vor.u32 v3, v18  }
0x1cf: {  	v19 =	vand.u32 v2, v19;
	_ =	sdelay $0x1  }
0x1d0: {  	v21 =	vor.u32 v4, v18;
	_ =	sdelay $0x1  }
0x1d1: {  	v22 =	vor.u32 v5, v18;
	v20 =	vld.idx.msk [tilespmem:v20+s26+$0x0], $0xffff  }
0x1d2: {  	v19 =	vld.idx.msk [tilespmem:v19+s26+$0x0], $0xffff  }
0x1d3: {  	v23 =	vor.u32 v6, v18  }
0x1d4: {  	v21 =	vld.idx.msk [tilespmem:v21+s26+$0x0], $0xffff  }
0x1d5: {  	v24 =	vor.u32 v7, v18  }
0x1d6: {  	v22 =	vld.idx.msk [tilespmem:v22+s26+$0x0], $0xffff  }
0x1d7: {  	v25 =	vor.u32 v8, v18;
	v19 =	vadd.f32 v20, v19  }
0x1d8: {  	v20 =	vld.idx.msk [tilespmem:v23+s26+$0x0], $0xffff  }
0x1d9: {  	v23 =	vor.u32 v9, v18;
	v19 =	vadd.f32 v21, v19  }
0x1da: {  	v21 =	vld.idx.msk [tilespmem:v24+s26+$0x0], $0xffff  }
0x1db: {  	v24 =	vor.u32 v10, v18;
	v19 =	vadd.f32 v22, v19  }
0x1dc: {  	v22 =	vld.idx.msk [tilespmem:v25+s26+$0x0], $0xffff  }
0x1dd: {  	v25 =	vor.u32 v11, v18;
	v19 =	vadd.f32 v20, v19  }
0x1de: {  	v20 =	vld.idx.msk [tilespmem:v23+s26+$0x0], $0xffff  }
0x1df: {  	v23 =	vor.u32 v12, v18;
	v19 =	vadd.f32 v21, v19  }
0x1e0: {  	v21 =	vld.idx.msk [tilespmem:v24+s26+$0x0], $0xffff  }
0x1e1: {  	v24 =	vor.u32 v13, v18;
	v19 =	vadd.f32 v22, v19  }
0x1e2: {  	v22 =	vld.idx.msk [tilespmem:v25+s26+$0x0], $0xffff  }
0x1e3: {  	v25 =	vor.u32 v14, v18;
	v19 =	vadd.f32 v20, v19  }
0x1e4: {  	v20 =	vld.idx.msk [tilespmem:v23+s26+$0x0], $0xffff  }
0x1e5: {  	v23 =	vor.u32 v15, v18;
	v19 =	vadd.f32 v21, v19  }
0x1e6: {  	v21 =	vld.idx.msk [tilespmem:v24+s26+$0x0], $0xffff  }
0x1e7: {  	v24 =	vor.u32 v16, v18;
	v19 =	vadd.f32 v22, v19  }
0x1e8: {  	v22 =	vld.idx.msk [tilespmem:v25+s26+$0x0], $0xffff  }
0x1e9: {  	v18 =	vor.u32 v17, v18;
	v19 =	vadd.f32 v20, v19  }
0x1ea: {  	v20 =	vld.idx.msk [tilespmem:v23+s26+$0x0], $0xffff  }
0x1eb: {  	v19 =	vadd.f32 v21, v19  }
0x1ec: {  	v21 =	vld.idx.msk [tilespmem:v24+s26+$0x0], $0xffff  }
0x1ed: {  	v19 =	vadd.f32 v22, v19  }
0x1ee: {  	v18 =	vld.idx.msk [tilespmem:v18+s26+$0x0], $0xffff  }
0x1ef: {  	s0 =	sadd.s32 $0x10, s14;
	v19 =	vadd.f32 v20, v19  }
0x1f0: {  	v20 =	vld [tilespmem:s0+$0x0]  }
0x1f1: {  	s18 =	sadd.s32 $0x10, s17;
	v19 =	vadd.f32 v21, v19  }
0x1f2: {  	v21 =	vld [tilespmem:s18+$0x0]  }
0x1f3: {  	v18 =	vadd.f32 v18, v19;
	_ =	sdelay $0x1  }
0x1f4: {  	v18 =	vadd.f32 v20, v18;
	_ =	sdelay $0x1  }
0x1f5: {  	v18 =	vadd.f32 v21, v18  }
0x1f6: {  	s19 =	sadd.s32 $0x10, s19  }
0x1f7: {  	s20 =	simm.s32 $0x580;
	[tilespmem:s19+$0x0] =	vst v18  }
0x1f8: {  	[tilespmem:s22], [sflag:$0x2] =	stream.indirect.gather [hbm4b:s4+s16], $0x80, s20, s16, $0xb8;
	[tilespmem:$0x13000] =	vst v63  }
0x1f9: {  	s21 =	simm.s32 $0x780  }
0x1fa: {  	[tilespmem:s24], [sflag:$0x2] =	stream.indirect.gather [hbm4b:s5+s16], $0x80, s21, s16, $0xb8;
	[tilespmem:$0x13000] =	vst v63  }
0x1fb: {  	_ =	swait.ge [sflag:s25], $0x4000  }
0x1fc: {  	[sflag:s25] =	ssyncset.done $0x0  }
0x1fd: {  	[sflag:s25] =	ssyncadd.s32 $0xFFFFC000  }
0x1fe: {  	_ =	swait.ge [sflag:s25], $0x4000  }
0x1ff: {  	[sflag:s25] =	ssyncset.done $0x0  }
0x200: {  	s23 =	simm.s32 $0x8A40;
	[sflag:s25] =	ssyncadd.s32 $0xFFFFC000  }
0x201: {  	s1 =	simm.s32 $0xA40;
	v18 =	vld [tilespmem:s23+$0xFFFFFFC0]  }
0x202: {  	v19 =	vld [tilespmem:s1+$0x0]  }
0x203: {  	v20 =	vld [tilespmem:s1+$0x10]  }
0x204: {  	v21 =	vld [tilespmem:s1+$0x20]  }
0x205: {  	v22 =	vld [tilespmem:s23+$0x0]  }
0x206: {  	v23 =	vld [tilespmem:s23+$0x20]  }
0x207: {  	v24 =	vld [tilespmem:s1+$0xFFFFFFC0]  }
0x208: {  	v25 =	vld [tilespmem:s23+$0x10]  }
0x209: {  	v26 =	vld [tilespmem:s23+$0xFFFFFFD0]  }
0x20a: {  	v27 =	vld [tilespmem:s1+$0xFFFFFFD0]  }
0x20b: {  	v28 =	vld [tilespmem:s23+$0xFFFFFFE0]  }
0x20c: {  	v30 =	vld [tilespmem:s1+$0xFFFFFFE0];
	v29 =	vmul.f32 v18, v19;
	v31 =	vmul.f32 v23, v21  }
0x20d: {  	v32 =	vld [tilespmem:s23+$0xFFFFFFF0];
	v18 =	vmul.f32 v18, v24;
	v19 =	vmul.f32 v22, v19  }
0x20e: {  	v34 =	vld [tilespmem:s1+$0xFFFFFFF0];
	v33 =	vmul.f32 v25, v20;
	v20 =	vmul.f32 v26, v20  }
0x20f: {  	v35 =	vld [tilespmem:s23+$0x30];
	v26 =	vmul.f32 v26, v27;
	v22 =	vmul.f32 v22, v24  }
0x210: {  	v63 =	vld [tilespmem:s1+$0x30];
	v24 =	vmul.f32 v25, v27;
	v21 =	vmul.f32 v28, v21  }
0x211: {  	v19 =	vadd.f32 v33, v19;
	v25 =	vadd.f32 v26, v18;
	v26 =	vmul.f32 v28, v30  }
0x212: {  	s14 =	simm.s32 $0x0;
	s28 =	simm.s32 $0x10E00;
	v23 =	vmul.f32 v23, v30;
	v20 =	vadd.f32 v20, v29;
	v22 =	vadd.f32 v24, v22  }
0x213: {  	s17 =	simm.s32 $0x10;
	s29 =	simm.s32 $0x10E10;
	s31 =	simm.s32 $0xAC0;
	v18 =	vadd.f32 v31, v19;
	v24 =	vadd.f32 v26, v25;
	v25 =	vmul.f32 v32, v34  }
0x214: {  	s3 =	simm.s32 $0x20;
	s0 =	simm.s32 $0x8AC0;
	s19 =	simm.s32 $0x10E10;
	v19 =	vadd.f32 v21, v20;
	v22 =	vadd.f32 v23, v22;
	v23 =	vmul.f32 v35, v34  }
0x215: {  	s21 =	simm.s32 $0xAC0;
	s1 =	simm.s32 $0x0;
	s23 =	simm.s32 $0x8AC0;
	v20 =	vmul.f32 v35, v63;
	v21 =	vadd.f32 v25, v24;
	v24 =	vmul.f32 v32, v63  }
.LBB2_12:
0x216: {  	s29 =	sadd.s32 $0x10, s29  }
0x217: {  	s31 =	sadd.s32 $0x80, s31;
	s0 =	sadd.s32 $0x80, s0;
	v22 =	vadd.f32 v23, v22;
	s18 =	smov.u32 s3  }
0x218: {  	p0 =	sne.s32 s3, $0x7F0;
	s3 =	sadd.s32 $0x10, s3;
	s20 =	sand.u32 $0x7F0, s1;
	v19 =	vadd.f32 v24, v19;
	[tilespmem:s28+$0x0] =	vst v21  }
0x219: {  	s1 =	smov.u32 s17;
	v18 =	vadd.f32 v20, v18;
	s28 =	smov.u32 s19;
	s19 =	smov.u32 s29;
	[tilespmem:s20+$0x11600] =	vst v22  }
0x21a: {  	s17 =	smov.u32 s18;
	[tilespmem:s20+$0x11E00] =	vst v19  }
0x21b: {  	[tilespmem:s20+$0x12600] =	vst v18  }
0x21c: {  	v18 =	vld [tilespmem:s23+$0xFFFFFFC0]  }
0x21d: {  	v19 =	vld [tilespmem:s21+$0x0]  }
0x21e: {  	v20 =	vld [tilespmem:s21+$0x10]  }
0x21f: {  	v21 =	vld [tilespmem:s21+$0x20]  }
0x220: {  	v22 =	vld [tilespmem:s23+$0x0]  }
0x221: {  	v23 =	vld [tilespmem:s23+$0x20]  }
0x222: {  	v24 =	vld [tilespmem:s21+$0xFFFFFFC0];
	v25 =	vmul.f32 v18, v19  }
0x223: {  	v26 =	vld [tilespmem:s23+$0x10]  }
0x224: {  	v27 =	vld [tilespmem:s23+$0xFFFFFFD0]  }
0x225: {  	v28 =	vld [tilespmem:s21+$0xFFFFFFD0]  }
0x226: {  	v29 =	vld [tilespmem:s23+$0xFFFFFFE0];
	v30 =	vmul.f32 v23, v21  }
0x227: {  	v31 =	vld [tilespmem:s21+$0xFFFFFFE0];
	v18 =	vmul.f32 v18, v24  }
0x228: {  	v19 =	vmul.f32 v22, v19;
	v32 =	vld [tilespmem:s23+$0xFFFFFFF0];
	v33 =	vmul.f32 v26, v20  }
0x229: {  	v34 =	vld [tilespmem:s21+$0xFFFFFFF0];
	v20 =	vmul.f32 v27, v20  }
0x22a: {  	v22 =	vmul.f32 v22, v24;
	v35 =	vld [tilespmem:s23+$0x30];
	v24 =	vmul.f32 v27, v28;
	v19 =	vadd.f32 v33, v19;
	s23 =	smov.u32 s0  }
0x22b: {  	v26 =	vmul.f32 v26, v28;
	v27 =	vld [tilespmem:s21+$0x30];
	v20 =	vadd.f32 v20, v25;
	v21 =	vmul.f32 v29, v21;
	s21 =	smov.u32 s31  }
.Ltmp5:
0x22c: {  	v24 =	vadd.f32 v24, v18;
	v25 =	vmul.f32 v29, v31;
	v18 =	vadd.f32 v30, v19;
	(pc) =	sbr.rel @p0 .LBB2_12-.Ltmp5, $4  }
0x22d: {  	v22 =	vadd.f32 v26, v22;
	v23 =	vmul.f32 v23, v31  }
0x22e: {  	v19 =	vadd.f32 v21, v20;
	v24 =	vadd.f32 v25, v24;
	v20 =	vmul.f32 v32, v34  }
0x22f: {  	v22 =	vadd.f32 v23, v22;
	v23 =	vmul.f32 v35, v34  }
0x230: {  	v21 =	vadd.f32 v20, v24;
	v24 =	vmul.f32 v32, v27;
	v20 =	vmul.f32 v35, v27  }
0x231: {  	v22 =	vadd.f32 v23, v22  }
0x232: {  	s0 =	sand.u32 $0x7F0, s1;
	v19 =	vadd.f32 v24, v19;
	[tilespmem:s28+$0x0] =	vst v21  }
0x233: {  	v18 =	vadd.f32 v20, v18;
	[tilespmem:s0+$0x11600] =	vst v22  }
0x234: {  	[tilespmem:s0+$0x11E00] =	vst v19  }
0x235: {  	[tilespmem:s0+$0x12600] =	vst v18  }
0x236: {  	v18 =	vld [tilespmem:s23+$0xFFFFFFC0]  }
0x237: {  	v19 =	vld [tilespmem:s21+$0x0]  }
0x238: {  	v20 =	vld [tilespmem:s21+$0x10]  }
0x239: {  	v21 =	vld [tilespmem:s21+$0x20]  }
0x23a: {  	v22 =	vld [tilespmem:s23+$0x0]  }
0x23b: {  	v63 =	vld [tilespmem:s23+$0x20]  }
0x23c: {  	v36 =	vld [tilespmem:s21+$0xFFFFFFC0]  }
0x23d: {  	v25 =	vld [tilespmem:s23+$0x10]  }
0x23e: {  	v26 =	vld [tilespmem:s23+$0xFFFFFFD0]  }
0x23f: {  	v27 =	vld [tilespmem:s21+$0xFFFFFFD0]  }
0x240: {  	v28 =	vld [tilespmem:s23+$0xFFFFFFE0]  }
0x241: {  	v29 =	vld [tilespmem:s21+$0xFFFFFFE0]  }
0x242: {  	v32 =	vld [tilespmem:s23+$0xFFFFFFF0];
	v30 =	vmul.f32 v18, v19;
	v31 =	vmul.f32 v63, v21  }
0x243: {  	v33 =	vld [tilespmem:s21+$0xFFFFFFF0];
	v18 =	vmul.f32 v18, v36;
	v19 =	vmul.f32 v22, v19  }
0x244: {  	v35 =	vld [tilespmem:s23+$0x30];
	v34 =	vmul.f32 v26, v20;
	v26 =	vmul.f32 v26, v27  }
0x245: {  	v37 =	vld [tilespmem:s21+$0x30];
	v22 =	vmul.f32 v22, v36;
	v27 =	vmul.f32 v25, v27  }
0x246: {  	v20 =	vmul.f32 v25, v20;
	v38 =	vmul.f32 v28, v29;
	v18 =	vadd.f32 v26, v18  }
0x247: {  	v23 =	vmul.f32 v63, v29;
	v21 =	vmul.f32 v28, v21;
	v22 =	vadd.f32 v27, v22  }
0x248: {  	v40 =	vmul.f32 v32, v33;
	v39 =	vadd.f32 v34, v30;
	v18 =	vadd.f32 v38, v18  }
0x249: {  	v41 =	vmul.f32 v35, v33;
	v19 =	vadd.f32 v20, v19;
	v20 =	vadd.f32 v23, v22  }
0x24a: {  	v42 =	vmul.f32 v32, v37;
	v21 =	vadd.f32 v21, v39;
	v18 =	vadd.f32 v40, v18  }
0x24b: {  	v24 =	vmul.f32 v35, v37;
	v19 =	vadd.f32 v31, v19;
	v20 =	vadd.f32 v41, v20  }
0x24c: {  	s29 =	sand.u32 $0x7F0, s17;
	v21 =	vadd.f32 v42, v21;
	[tilespmem:s19+$0x0] =	vst v18  }
0x24d: {  	v18 =	vadd.f32 v24, v19;
	[tilespmem:s29+$0x11600] =	vst v20  }
0x24e: {  	[tilespmem:s29+$0x11E00] =	vst v21  }
0x24f: {  	s31 =	simm.s32 $0x900;
	[tilespmem:s29+$0x12600] =	vst v18  }
0x250: {  	v18 =	vld [tilespmem:s31+$0x0];
	_ =	sdelay $0x4  }
0x251: {  	v18 =	vshll.u32 v18, $0xB  }
0x252: {  	v18 =	vadd.s32 s14, v18  }
0x253: {  	v19 =	vor.u32 v0, v18;
	v20 =	vor.u32 v3, v18  }
0x254: {  	v19 =	vand.u32 v2, v19;
	_ =	sdelay $0x1  }
0x255: {  	v43 =	vor.u32 v4, v18;
	_ =	sdelay $0x1  }
0x256: {  	v44 =	vor.u32 v5, v18;
	v20 =	vld.idx.msk [tilespmem:v20+s26+$0x0], $0xffff  }
0x257: {  	v19 =	vld.idx.msk [tilespmem:v19+s26+$0x0], $0xffff  }
0x258: {  	v45 =	vor.u32 v6, v18  }
0x259: {  	v21 =	vld.idx.msk [tilespmem:v43+s26+$0x0], $0xffff  }
0x25a: {  	v46 =	vor.u32 v7, v18  }
0x25b: {  	v22 =	vld.idx.msk [tilespmem:v44+s26+$0x0], $0xffff  }
0x25c: {  	v47 =	vor.u32 v8, v18;
	v19 =	vadd.f32 v20, v19  }
0x25d: {  	v20 =	vld.idx.msk [tilespmem:v45+s26+$0x0], $0xffff  }
0x25e: {  	v48 =	vor.u32 v9, v18;
	v19 =	vadd.f32 v21, v19  }
0x25f: {  	v49 =	vld.idx.msk [tilespmem:v46+s26+$0x0], $0xffff  }
0x260: {  	v50 =	vor.u32 v10, v18;
	v19 =	vadd.f32 v22, v19  }
0x261: {  	v51 =	vld.idx.msk [tilespmem:v47+s26+$0x0], $0xffff  }
0x262: {  	v52 =	vor.u32 v11, v18;
	v19 =	vadd.f32 v20, v19  }
0x263: {  	v20 =	vld.idx.msk [tilespmem:v48+s26+$0x0], $0xffff  }
0x264: {  	v53 =	vor.u32 v12, v18;
	v19 =	vadd.f32 v49, v19  }
0x265: {  	v54 =	vld.idx.msk [tilespmem:v50+s26+$0x0], $0xffff  }
0x266: {  	v55 =	vor.u32 v13, v18;
	v19 =	vadd.f32 v51, v19  }
0x267: {  	v56 =	vld.idx.msk [tilespmem:v52+s26+$0x0], $0xffff  }
0x268: {  	v57 =	vor.u32 v14, v18;
	v19 =	vadd.f32 v20, v19  }
0x269: {  	v20 =	vld.idx.msk [tilespmem:v53+s26+$0x0], $0xffff  }
0x26a: {  	v58 =	vor.u32 v15, v18;
	v19 =	vadd.f32 v54, v19  }
0x26b: {  	v59 =	vld.idx.msk [tilespmem:v55+s26+$0x0], $0xffff  }
0x26c: {  	v60 =	vor.u32 v16, v18;
	v19 =	vadd.f32 v56, v19  }
0x26d: {  	v61 =	vld.idx.msk [tilespmem:v57+s26+$0x0], $0xffff  }
0x26e: {  	v18 =	vor.u32 v17, v18;
	v19 =	vadd.f32 v20, v19  }
0x26f: {  	v20 =	vld.idx.msk [tilespmem:v58+s26+$0x0], $0xffff  }
0x270: {  	v19 =	vadd.f32 v59, v19  }
0x271: {  	v62 =	vld.idx.msk [tilespmem:v60+s26+$0x0], $0xffff  }
0x272: {  	v19 =	vadd.f32 v61, v19  }
0x273: {  	v18 =	vld.idx.msk [tilespmem:v18+s26+$0x0], $0xffff  }
0x274: {  	s14 =	simm.s32 $0x10B00;
	v19 =	vadd.f32 v20, v19  }
0x275: {  	v20 =	vld [tilespmem:s14+$0x0]  }
0x276: {  	s17 =	simm.s32 $0x10D00;
	v19 =	vadd.f32 v62, v19  }
0x277: {  	v63 =	vld [tilespmem:s17+$0x0]  }
0x278: {  	v18 =	vadd.f32 v18, v19;
	_ =	sdelay $0x1  }
0x279: {  	v18 =	vadd.f32 v20, v18;
	_ =	sdelay $0x1  }
0x27a: {  	v18 =	vadd.f32 v63, v18  }
0x27b: {  	s19 =	simm.s32 $0x12F00  }
0x27c: {  	s23 =	simm.s32 $0x910;
	[tilespmem:s19+$0x0] =	vst v18  }
0x27d: {  	s28 =	simm.s32 $0x200;
	s21 =	simm.s32 $0x100;
	v18 =	vld [tilespmem:s23+$0x0]  }
.LBB2_14:
0x27e: {  	p0 =	sne.s32 s28, $0x700;
	_ =	sdelay $0x3  }
0x27f: {  	v18 =	vshll.u32 v18, $0xB  }
0x280: {  	v18 =	vadd.s32 s21, v18;
	s21 =	smov.u32 s28  }
0x281: {  	v19 =	vor.u32 v0, v18;
	v20 =	vor.u32 v3, v18  }
0x282: {  	v19 =	vand.u32 v2, v19;
	_ =	sdelay $0x1  }
0x283: {  	v21 =	vor.u32 v4, v18;
	_ =	sdelay $0x1  }
0x284: {  	v22 =	vor.u32 v5, v18;
	v20 =	vld.idx.msk [tilespmem:v20+s26+$0x0], $0xffff  }
0x285: {  	v19 =	vld.idx.msk [tilespmem:v19+s26+$0x0], $0xffff  }
0x286: {  	v23 =	vor.u32 v6, v18  }
0x287: {  	v21 =	vld.idx.msk [tilespmem:v21+s26+$0x0], $0xffff  }
0x288: {  	v24 =	vor.u32 v7, v18  }
0x289: {  	v22 =	vld.idx.msk [tilespmem:v22+s26+$0x0], $0xffff  }
0x28a: {  	v25 =	vor.u32 v8, v18  }
0x28b: {  	v19 =	vadd.f32 v20, v19;
	v20 =	vld.idx.msk [tilespmem:v23+s26+$0x0], $0xffff  }
0x28c: {  	v23 =	vor.u32 v9, v18  }
0x28d: {  	v19 =	vadd.f32 v21, v19;
	v21 =	vld.idx.msk [tilespmem:v24+s26+$0x0], $0xffff  }
0x28e: {  	v24 =	vor.u32 v10, v18  }
0x28f: {  	v19 =	vadd.f32 v22, v19;
	v22 =	vld.idx.msk [tilespmem:v25+s26+$0x0], $0xffff  }
0x290: {  	v25 =	vor.u32 v11, v18  }
0x291: {  	v19 =	vadd.f32 v20, v19;
	v20 =	vld.idx.msk [tilespmem:v23+s26+$0x0], $0xffff  }
0x292: {  	v23 =	vor.u32 v12, v18  }
0x293: {  	v19 =	vadd.f32 v21, v19;
	v21 =	vld.idx.msk [tilespmem:v24+s26+$0x0], $0xffff  }
0x294: {  	v24 =	vor.u32 v13, v18  }
0x295: {  	v19 =	vadd.f32 v22, v19;
	v22 =	vld.idx.msk [tilespmem:v25+s26+$0x0], $0xffff  }
0x296: {  	v25 =	vor.u32 v14, v18  }
0x297: {  	v19 =	vadd.f32 v20, v19;
	v20 =	vld.idx.msk [tilespmem:v23+s26+$0x0], $0xffff  }
0x298: {  	v23 =	vor.u32 v15, v18  }
0x299: {  	v19 =	vadd.f32 v21, v19;
	v21 =	vld.idx.msk [tilespmem:v24+s26+$0x0], $0xffff  }
0x29a: {  	v24 =	vor.u32 v16, v18  }
0x29b: {  	v19 =	vadd.f32 v22, v19;
	v22 =	vld.idx.msk [tilespmem:v25+s26+$0x0], $0xffff  }
0x29c: {  	v18 =	vor.u32 v17, v18  }
0x29d: {  	v19 =	vadd.f32 v20, v19;
	v20 =	vld.idx.msk [tilespmem:v23+s26+$0x0], $0xffff;
	_ =	sdelay $0x1  }
0x29e: {  	v19 =	vadd.f32 v21, v19;
	v21 =	vld.idx.msk [tilespmem:v24+s26+$0x0], $0xffff;
	_ =	sdelay $0x1  }
0x29f: {  	v19 =	vadd.f32 v22, v19;
	v18 =	vld.idx.msk [tilespmem:v18+s26+$0x0], $0xffff;
	_ =	sdelay $0x1  }
0x2a0: {  	s14 =	sadd.s32 $0x10, s14;
	v19 =	vadd.f32 v20, v19  }
0x2a1: {  	v20 =	vld [tilespmem:s14+$0x0]  }
0x2a2: {  	s17 =	sadd.s32 $0x10, s17;
	v19 =	vadd.f32 v21, v19  }
0x2a3: {  	v21 =	vld [tilespmem:s17+$0x0]  }
0x2a4: {  	v18 =	vadd.f32 v18, v19;
	_ =	sdelay $0x1  }
0x2a5: {  	v18 =	vadd.f32 v20, v18  }
.Ltmp6:
0x2a6: {  	(pc) =	sbr.rel @p0 .LBB2_14-.Ltmp6, $4  }
0x2a7: {  	v18 =	vadd.f32 v21, v18  }
0x2a8: {  	s19 =	sadd.s32 $0x10, s19  }
0x2a9: {  	s23 =	sadd.s32 $0x10, s23;
	[tilespmem:s19+$0x0] =	vst v18  }
0x2aa: {  	s28 =	sadd.s32 $0x100, s28;
	v18 =	vld [tilespmem:s23+$0x0]  }
0x2ab: {  	_ =	sdelay $0x3  }
0x2ac: {  	v18 =	vshll.u32 v18, $0xB  }
0x2ad: {  	v18 =	vadd.s32 s21, v18  }
0x2ae: {  	v19 =	vor.u32 v0, v18;
	v20 =	vor.u32 v3, v18  }
0x2af: {  	v19 =	vand.u32 v2, v19;
	_ =	sdelay $0x1  }
0x2b0: {  	v21 =	vor.u32 v4, v18;
	_ =	sdelay $0x1  }
0x2b1: {  	v22 =	vor.u32 v5, v18;
	v20 =	vld.idx.msk [tilespmem:v20+s26+$0x0], $0xffff  }
0x2b2: {  	v19 =	vld.idx.msk [tilespmem:v19+s26+$0x0], $0xffff  }
0x2b3: {  	v23 =	vor.u32 v6, v18  }
0x2b4: {  	v21 =	vld.idx.msk [tilespmem:v21+s26+$0x0], $0xffff  }
0x2b5: {  	v24 =	vor.u32 v7, v18  }
0x2b6: {  	v22 =	vld.idx.msk [tilespmem:v22+s26+$0x0], $0xffff  }
0x2b7: {  	v25 =	vor.u32 v8, v18;
	v19 =	vadd.f32 v20, v19  }
0x2b8: {  	v20 =	vld.idx.msk [tilespmem:v23+s26+$0x0], $0xffff  }
0x2b9: {  	v23 =	vor.u32 v9, v18;
	v19 =	vadd.f32 v21, v19  }
0x2ba: {  	v21 =	vld.idx.msk [tilespmem:v24+s26+$0x0], $0xffff  }
0x2bb: {  	v24 =	vor.u32 v10, v18;
	v19 =	vadd.f32 v22, v19  }
0x2bc: {  	v22 =	vld.idx.msk [tilespmem:v25+s26+$0x0], $0xffff  }
0x2bd: {  	v25 =	vor.u32 v11, v18;
	v19 =	vadd.f32 v20, v19  }
0x2be: {  	v20 =	vld.idx.msk [tilespmem:v23+s26+$0x0], $0xffff  }
0x2bf: {  	v23 =	vor.u32 v12, v18;
	v19 =	vadd.f32 v21, v19  }
0x2c0: {  	v21 =	vld.idx.msk [tilespmem:v24+s26+$0x0], $0xffff  }
0x2c1: {  	v24 =	vor.u32 v13, v18;
	v19 =	vadd.f32 v22, v19  }
0x2c2: {  	v22 =	vld.idx.msk [tilespmem:v25+s26+$0x0], $0xffff  }
0x2c3: {  	v25 =	vor.u32 v14, v18;
	v19 =	vadd.f32 v20, v19  }
0x2c4: {  	v20 =	vld.idx.msk [tilespmem:v23+s26+$0x0], $0xffff  }
0x2c5: {  	v23 =	vor.u32 v15, v18;
	v19 =	vadd.f32 v21, v19  }
0x2c6: {  	v21 =	vld.idx.msk [tilespmem:v24+s26+$0x0], $0xffff  }
0x2c7: {  	v24 =	vor.u32 v16, v18;
	v19 =	vadd.f32 v22, v19  }
0x2c8: {  	v22 =	vld.idx.msk [tilespmem:v25+s26+$0x0], $0xffff  }
0x2c9: {  	v18 =	vor.u32 v17, v18;
	v19 =	vadd.f32 v20, v19  }
0x2ca: {  	v20 =	vld.idx.msk [tilespmem:v23+s26+$0x0], $0xffff  }
0x2cb: {  	v19 =	vadd.f32 v21, v19  }
0x2cc: {  	v21 =	vld.idx.msk [tilespmem:v24+s26+$0x0], $0xffff  }
0x2cd: {  	v19 =	vadd.f32 v22, v19  }
0x2ce: {  	v18 =	vld.idx.msk [tilespmem:v18+s26+$0x0], $0xffff  }
0x2cf: {  	s0 =	sadd.s32 $0x10, s14;
	v19 =	vadd.f32 v20, v19  }
0x2d0: {  	v20 =	vld [tilespmem:s0+$0x0]  }
0x2d1: {  	s20 =	sadd.s32 $0x10, s17;
	v19 =	vadd.f32 v21, v19  }
0x2d2: {  	v21 =	vld [tilespmem:s20+$0x0]  }
0x2d3: {  	v18 =	vadd.f32 v18, v19;
	_ =	sdelay $0x1  }
0x2d4: {  	v18 =	vadd.f32 v20, v18;
	_ =	sdelay $0x1  }
0x2d5: {  	v18 =	vadd.f32 v21, v18  }
0x2d6: {  	s21 =	sadd.s32 $0x10, s19  }
0x2d7: {  	[tilespmem:s21+$0x0] =	vst v18  }
0x2d8: {  	_ =	swait.ge [sflag:s30], $0x4000  }
0x2d9: {  	[sflag:s30] =	ssyncset.done $0x0  }
0x2da: {  	[sflag:s30] =	ssyncadd.s32 $0xFFFFC000  }
0x2db: {  	_ =	swait.ge [sflag:s30], $0x4000  }
0x2dc: {  	[sflag:s30] =	ssyncset.done $0x0  }
0x2dd: {  	s23 =	simm.s32 $0xCA40;
	[sflag:s30] =	ssyncadd.s32 $0xFFFFC000  }
0x2de: {  	s1 =	simm.s32 $0x4A40;
	v18 =	vld [tilespmem:s23+$0xFFFFFFC0]  }
0x2df: {  	v19 =	vld [tilespmem:s1+$0x0]  }
0x2e0: {  	v20 =	vld [tilespmem:s1+$0x10]  }
0x2e1: {  	v21 =	vld [tilespmem:s1+$0x20]  }
0x2e2: {  	v22 =	vld [tilespmem:s23+$0x0]  }
0x2e3: {  	v23 =	vld [tilespmem:s23+$0x20]  }
0x2e4: {  	v24 =	vld [tilespmem:s1+$0xFFFFFFC0]  }
0x2e5: {  	v25 =	vld [tilespmem:s23+$0x10]  }
0x2e6: {  	v26 =	vld [tilespmem:s23+$0xFFFFFFD0]  }
0x2e7: {  	v27 =	vld [tilespmem:s1+$0xFFFFFFD0]  }
0x2e8: {  	v28 =	vld [tilespmem:s23+$0xFFFFFFE0]  }
0x2e9: {  	v30 =	vld [tilespmem:s1+$0xFFFFFFE0];
	v29 =	vmul.f32 v18, v19;
	v31 =	vmul.f32 v23, v21  }
0x2ea: {  	v32 =	vld [tilespmem:s23+$0xFFFFFFF0];
	v18 =	vmul.f32 v18, v24;
	v19 =	vmul.f32 v22, v19  }
0x2eb: {  	v34 =	vld [tilespmem:s1+$0xFFFFFFF0];
	v33 =	vmul.f32 v25, v20;
	v20 =	vmul.f32 v26, v20  }
0x2ec: {  	v35 =	vld [tilespmem:s23+$0x30];
	v26 =	vmul.f32 v26, v27;
	v22 =	vmul.f32 v22, v24  }
0x2ed: {  	v63 =	vld [tilespmem:s1+$0x30];
	v24 =	vmul.f32 v25, v27;
	v21 =	vmul.f32 v28, v21  }
0x2ee: {  	v19 =	vadd.f32 v33, v19;
	v25 =	vadd.f32 v26, v18;
	v26 =	vmul.f32 v28, v30  }
0x2ef: {  	s14 =	simm.s32 $0x0;
	s28 =	simm.s32 $0x10E00;
	v23 =	vmul.f32 v23, v30;
	v20 =	vadd.f32 v20, v29;
	v22 =	vadd.f32 v24, v22  }
0x2f0: {  	s17 =	simm.s32 $0x10;
	s29 =	simm.s32 $0x10E10;
	s31 =	simm.s32 $0x4AC0;
	v18 =	vadd.f32 v31, v19;
	v24 =	vadd.f32 v26, v25;
	v25 =	vmul.f32 v32, v34  }
0x2f1: {  	s3 =	simm.s32 $0x20;
	s19 =	simm.s32 $0x10E10;
	s0 =	simm.s32 $0xCAC0;
	v19 =	vadd.f32 v21, v20;
	v22 =	vadd.f32 v23, v22;
	v23 =	vmul.f32 v35, v34  }
0x2f2: {  	s21 =	simm.s32 $0x4AC0;
	s1 =	simm.s32 $0x0;
	s23 =	simm.s32 $0xCAC0;
	v20 =	vmul.f32 v35, v63;
	v21 =	vadd.f32 v25, v24;
	v24 =	vmul.f32 v32, v63  }
.LBB2_16:
0x2f3: {  	s29 =	sadd.s32 $0x10, s29  }
0x2f4: {  	s31 =	sadd.s32 $0x80, s31;
	s0 =	sadd.s32 $0x80, s0;
	v22 =	vadd.f32 v23, v22;
	s18 =	smov.u32 s3  }
0x2f5: {  	p0 =	sne.s32 s3, $0x7F0;
	s3 =	sadd.s32 $0x10, s3;
	s20 =	sand.u32 $0x7F0, s1;
	v19 =	vadd.f32 v24, v19;
	[tilespmem:s28+$0x0] =	vst v21  }
0x2f6: {  	s1 =	smov.u32 s17;
	v18 =	vadd.f32 v20, v18;
	s28 =	smov.u32 s19;
	s19 =	smov.u32 s29;
	[tilespmem:s20+$0x11600] =	vst v22  }
0x2f7: {  	s17 =	smov.u32 s18;
	[tilespmem:s20+$0x11E00] =	vst v19  }
0x2f8: {  	[tilespmem:s20+$0x12600] =	vst v18  }
0x2f9: {  	v18 =	vld [tilespmem:s23+$0xFFFFFFC0]  }
0x2fa: {  	v19 =	vld [tilespmem:s21+$0x0]  }
0x2fb: {  	v20 =	vld [tilespmem:s21+$0x10]  }
0x2fc: {  	v21 =	vld [tilespmem:s21+$0x20]  }
0x2fd: {  	v22 =	vld [tilespmem:s23+$0x0]  }
0x2fe: {  	v23 =	vld [tilespmem:s23+$0x20]  }
0x2ff: {  	v24 =	vld [tilespmem:s21+$0xFFFFFFC0];
	v25 =	vmul.f32 v18, v19  }
0x300: {  	v26 =	vld [tilespmem:s23+$0x10]  }
0x301: {  	v27 =	vld [tilespmem:s23+$0xFFFFFFD0]  }
0x302: {  	v28 =	vld [tilespmem:s21+$0xFFFFFFD0]  }
0x303: {  	v29 =	vld [tilespmem:s23+$0xFFFFFFE0];
	v30 =	vmul.f32 v23, v21  }
0x304: {  	v31 =	vld [tilespmem:s21+$0xFFFFFFE0];
	v18 =	vmul.f32 v18, v24  }
0x305: {  	v19 =	vmul.f32 v22, v19;
	v32 =	vld [tilespmem:s23+$0xFFFFFFF0];
	v33 =	vmul.f32 v26, v20  }
0x306: {  	v34 =	vld [tilespmem:s21+$0xFFFFFFF0];
	v20 =	vmul.f32 v27, v20  }
0x307: {  	v22 =	vmul.f32 v22, v24;
	v35 =	vld [tilespmem:s23+$0x30];
	v24 =	vmul.f32 v27, v28;
	v19 =	vadd.f32 v33, v19;
	s23 =	smov.u32 s0  }
0x308: {  	v26 =	vmul.f32 v26, v28;
	v27 =	vld [tilespmem:s21+$0x30];
	v20 =	vadd.f32 v20, v25;
	v21 =	vmul.f32 v29, v21;
	s21 =	smov.u32 s31  }
.Ltmp7:
0x309: {  	v24 =	vadd.f32 v24, v18;
	v25 =	vmul.f32 v29, v31;
	v18 =	vadd.f32 v30, v19;
	(pc) =	sbr.rel @p0 .LBB2_16-.Ltmp7, $4  }
0x30a: {  	v22 =	vadd.f32 v26, v22;
	v23 =	vmul.f32 v23, v31  }
0x30b: {  	v19 =	vadd.f32 v21, v20;
	v24 =	vadd.f32 v25, v24;
	v20 =	vmul.f32 v32, v34  }
0x30c: {  	v22 =	vadd.f32 v23, v22;
	v23 =	vmul.f32 v35, v34  }
0x30d: {  	v21 =	vadd.f32 v20, v24;
	v24 =	vmul.f32 v32, v27;
	v20 =	vmul.f32 v35, v27  }
0x30e: {  	v22 =	vadd.f32 v23, v22  }
0x30f: {  	s0 =	sand.u32 $0x7F0, s1;
	v19 =	vadd.f32 v24, v19;
	[tilespmem:s28+$0x0] =	vst v21  }
0x310: {  	v18 =	vadd.f32 v20, v18;
	[tilespmem:s0+$0x11600] =	vst v22  }
0x311: {  	[tilespmem:s0+$0x11E00] =	vst v19  }
0x312: {  	[tilespmem:s0+$0x12600] =	vst v18  }
0x313: {  	v18 =	vld [tilespmem:s23+$0xFFFFFFC0]  }
0x314: {  	v19 =	vld [tilespmem:s21+$0x0]  }
0x315: {  	v20 =	vld [tilespmem:s21+$0x10]  }
0x316: {  	v21 =	vld [tilespmem:s21+$0x20]  }
0x317: {  	v22 =	vld [tilespmem:s23+$0x0]  }
0x318: {  	v63 =	vld [tilespmem:s23+$0x20]  }
0x319: {  	v36 =	vld [tilespmem:s21+$0xFFFFFFC0]  }
0x31a: {  	v25 =	vld [tilespmem:s23+$0x10]  }
0x31b: {  	v26 =	vld [tilespmem:s23+$0xFFFFFFD0]  }
0x31c: {  	v27 =	vld [tilespmem:s21+$0xFFFFFFD0]  }
0x31d: {  	v28 =	vld [tilespmem:s23+$0xFFFFFFE0]  }
0x31e: {  	v29 =	vld [tilespmem:s21+$0xFFFFFFE0]  }
0x31f: {  	v32 =	vld [tilespmem:s23+$0xFFFFFFF0];
	v30 =	vmul.f32 v18, v19;
	v31 =	vmul.f32 v63, v21  }
0x320: {  	v33 =	vld [tilespmem:s21+$0xFFFFFFF0];
	v18 =	vmul.f32 v18, v36;
	v19 =	vmul.f32 v22, v19  }
0x321: {  	v35 =	vld [tilespmem:s23+$0x30];
	v34 =	vmul.f32 v26, v20;
	v26 =	vmul.f32 v26, v27  }
0x322: {  	v37 =	vld [tilespmem:s21+$0x30];
	v22 =	vmul.f32 v22, v36;
	v27 =	vmul.f32 v25, v27  }
0x323: {  	v20 =	vmul.f32 v25, v20;
	v38 =	vmul.f32 v28, v29;
	v18 =	vadd.f32 v26, v18  }
0x324: {  	v23 =	vmul.f32 v63, v29;
	v21 =	vmul.f32 v28, v21;
	v22 =	vadd.f32 v27, v22  }
0x325: {  	v40 =	vmul.f32 v32, v33;
	v39 =	vadd.f32 v34, v30;
	v18 =	vadd.f32 v38, v18  }
0x326: {  	v41 =	vmul.f32 v35, v33;
	v19 =	vadd.f32 v20, v19;
	v20 =	vadd.f32 v23, v22  }
0x327: {  	v42 =	vmul.f32 v32, v37;
	v21 =	vadd.f32 v21, v39;
	v18 =	vadd.f32 v40, v18  }
0x328: {  	v24 =	vmul.f32 v35, v37;
	v19 =	vadd.f32 v31, v19;
	v20 =	vadd.f32 v41, v20  }
0x329: {  	s29 =	sand.u32 $0x7F0, s17;
	v21 =	vadd.f32 v42, v21;
	[tilespmem:s19+$0x0] =	vst v18  }
0x32a: {  	v18 =	vadd.f32 v24, v19;
	[tilespmem:s29+$0x11600] =	vst v20  }
0x32b: {  	[tilespmem:s29+$0x11E00] =	vst v21  }
0x32c: {  	s31 =	simm.s32 $0x980;
	[tilespmem:s29+$0x12600] =	vst v18  }
0x32d: {  	v18 =	vld [tilespmem:s31+$0x0];
	_ =	sdelay $0x4  }
0x32e: {  	v18 =	vshll.u32 v18, $0xB  }
0x32f: {  	v18 =	vadd.s32 s14, v18  }
0x330: {  	v19 =	vor.u32 v0, v18;
	v20 =	vor.u32 v3, v18  }
0x331: {  	v19 =	vand.u32 v2, v19;
	_ =	sdelay $0x1  }
0x332: {  	v43 =	vor.u32 v4, v18;
	_ =	sdelay $0x1  }
0x333: {  	v44 =	vor.u32 v5, v18;
	v20 =	vld.idx.msk [tilespmem:v20+s26+$0x0], $0xffff  }
0x334: {  	v19 =	vld.idx.msk [tilespmem:v19+s26+$0x0], $0xffff  }
0x335: {  	v45 =	vor.u32 v6, v18  }
0x336: {  	v21 =	vld.idx.msk [tilespmem:v43+s26+$0x0], $0xffff  }
0x337: {  	v46 =	vor.u32 v7, v18  }
0x338: {  	v22 =	vld.idx.msk [tilespmem:v44+s26+$0x0], $0xffff  }
0x339: {  	v47 =	vor.u32 v8, v18;
	v19 =	vadd.f32 v20, v19  }
0x33a: {  	v20 =	vld.idx.msk [tilespmem:v45+s26+$0x0], $0xffff  }
0x33b: {  	v48 =	vor.u32 v9, v18;
	v19 =	vadd.f32 v21, v19  }
0x33c: {  	v49 =	vld.idx.msk [tilespmem:v46+s26+$0x0], $0xffff  }
0x33d: {  	v50 =	vor.u32 v10, v18;
	v19 =	vadd.f32 v22, v19  }
0x33e: {  	v51 =	vld.idx.msk [tilespmem:v47+s26+$0x0], $0xffff  }
0x33f: {  	v52 =	vor.u32 v11, v18;
	v19 =	vadd.f32 v20, v19  }
0x340: {  	v20 =	vld.idx.msk [tilespmem:v48+s26+$0x0], $0xffff  }
0x341: {  	v53 =	vor.u32 v12, v18;
	v19 =	vadd.f32 v49, v19  }
0x342: {  	v54 =	vld.idx.msk [tilespmem:v50+s26+$0x0], $0xffff  }
0x343: {  	v55 =	vor.u32 v13, v18;
	v19 =	vadd.f32 v51, v19  }
0x344: {  	v56 =	vld.idx.msk [tilespmem:v52+s26+$0x0], $0xffff  }
0x345: {  	v57 =	vor.u32 v14, v18;
	v19 =	vadd.f32 v20, v19  }
0x346: {  	v20 =	vld.idx.msk [tilespmem:v53+s26+$0x0], $0xffff  }
0x347: {  	v58 =	vor.u32 v15, v18;
	v19 =	vadd.f32 v54, v19  }
0x348: {  	v59 =	vld.idx.msk [tilespmem:v55+s26+$0x0], $0xffff  }
0x349: {  	v60 =	vor.u32 v16, v18;
	v19 =	vadd.f32 v56, v19  }
0x34a: {  	v61 =	vld.idx.msk [tilespmem:v57+s26+$0x0], $0xffff  }
0x34b: {  	v18 =	vor.u32 v17, v18;
	v19 =	vadd.f32 v20, v19  }
0x34c: {  	v20 =	vld.idx.msk [tilespmem:v58+s26+$0x0], $0xffff  }
0x34d: {  	v19 =	vadd.f32 v59, v19  }
0x34e: {  	v62 =	vld.idx.msk [tilespmem:v60+s26+$0x0], $0xffff  }
0x34f: {  	v19 =	vadd.f32 v61, v19  }
0x350: {  	v18 =	vld.idx.msk [tilespmem:v18+s26+$0x0], $0xffff  }
0x351: {  	s14 =	simm.s32 $0x10B80;
	v19 =	vadd.f32 v20, v19  }
0x352: {  	v20 =	vld [tilespmem:s14+$0x0]  }
0x353: {  	s17 =	simm.s32 $0x10D80;
	v19 =	vadd.f32 v62, v19  }
0x354: {  	v63 =	vld [tilespmem:s17+$0x0]  }
0x355: {  	v18 =	vadd.f32 v18, v19;
	_ =	sdelay $0x1  }
0x356: {  	v18 =	vadd.f32 v20, v18;
	_ =	sdelay $0x1  }
0x357: {  	v18 =	vadd.f32 v63, v18  }
0x358: {  	s19 =	simm.s32 $0x12F80  }
0x359: {  	s23 =	simm.s32 $0x990;
	[tilespmem:s19+$0x0] =	vst v18  }
0x35a: {  	s28 =	simm.s32 $0x200;
	s21 =	simm.s32 $0x100;
	v18 =	vld [tilespmem:s23+$0x0]  }
.LBB2_18:
0x35b: {  	p0 =	sne.s32 s28, $0x700;
	_ =	sdelay $0x3  }
0x35c: {  	v18 =	vshll.u32 v18, $0xB  }
0x35d: {  	v18 =	vadd.s32 s21, v18;
	s21 =	smov.u32 s28  }
0x35e: {  	v19 =	vor.u32 v0, v18;
	v20 =	vor.u32 v3, v18  }
0x35f: {  	v19 =	vand.u32 v2, v19;
	_ =	sdelay $0x1  }
0x360: {  	v21 =	vor.u32 v4, v18;
	_ =	sdelay $0x1  }
0x361: {  	v22 =	vor.u32 v5, v18;
	v20 =	vld.idx.msk [tilespmem:v20+s26+$0x0], $0xffff  }
0x362: {  	v19 =	vld.idx.msk [tilespmem:v19+s26+$0x0], $0xffff  }
0x363: {  	v23 =	vor.u32 v6, v18  }
0x364: {  	v21 =	vld.idx.msk [tilespmem:v21+s26+$0x0], $0xffff  }
0x365: {  	v24 =	vor.u32 v7, v18  }
0x366: {  	v22 =	vld.idx.msk [tilespmem:v22+s26+$0x0], $0xffff  }
0x367: {  	v25 =	vor.u32 v8, v18  }
0x368: {  	v19 =	vadd.f32 v20, v19;
	v20 =	vld.idx.msk [tilespmem:v23+s26+$0x0], $0xffff  }
0x369: {  	v23 =	vor.u32 v9, v18  }
0x36a: {  	v19 =	vadd.f32 v21, v19;
	v21 =	vld.idx.msk [tilespmem:v24+s26+$0x0], $0xffff  }
0x36b: {  	v24 =	vor.u32 v10, v18  }
0x36c: {  	v19 =	vadd.f32 v22, v19;
	v22 =	vld.idx.msk [tilespmem:v25+s26+$0x0], $0xffff  }
0x36d: {  	v25 =	vor.u32 v11, v18  }
0x36e: {  	v19 =	vadd.f32 v20, v19;
	v20 =	vld.idx.msk [tilespmem:v23+s26+$0x0], $0xffff  }
0x36f: {  	v23 =	vor.u32 v12, v18  }
0x370: {  	v19 =	vadd.f32 v21, v19;
	v21 =	vld.idx.msk [tilespmem:v24+s26+$0x0], $0xffff  }
0x371: {  	v24 =	vor.u32 v13, v18  }
0x372: {  	v19 =	vadd.f32 v22, v19;
	v22 =	vld.idx.msk [tilespmem:v25+s26+$0x0], $0xffff  }
0x373: {  	v25 =	vor.u32 v14, v18  }
0x374: {  	v19 =	vadd.f32 v20, v19;
	v20 =	vld.idx.msk [tilespmem:v23+s26+$0x0], $0xffff  }
0x375: {  	v23 =	vor.u32 v15, v18  }
0x376: {  	v19 =	vadd.f32 v21, v19;
	v21 =	vld.idx.msk [tilespmem:v24+s26+$0x0], $0xffff  }
0x377: {  	v24 =	vor.u32 v16, v18  }
0x378: {  	v19 =	vadd.f32 v22, v19;
	v22 =	vld.idx.msk [tilespmem:v25+s26+$0x0], $0xffff  }
0x379: {  	v18 =	vor.u32 v17, v18  }
0x37a: {  	v19 =	vadd.f32 v20, v19;
	v20 =	vld.idx.msk [tilespmem:v23+s26+$0x0], $0xffff;
	_ =	sdelay $0x1  }
0x37b: {  	v19 =	vadd.f32 v21, v19;
	v21 =	vld.idx.msk [tilespmem:v24+s26+$0x0], $0xffff;
	_ =	sdelay $0x1  }
0x37c: {  	v19 =	vadd.f32 v22, v19;
	v18 =	vld.idx.msk [tilespmem:v18+s26+$0x0], $0xffff;
	_ =	sdelay $0x1  }
0x37d: {  	s14 =	sadd.s32 $0x10, s14;
	v19 =	vadd.f32 v20, v19  }
0x37e: {  	v20 =	vld [tilespmem:s14+$0x0]  }
0x37f: {  	s17 =	sadd.s32 $0x10, s17;
	v19 =	vadd.f32 v21, v19  }
0x380: {  	v21 =	vld [tilespmem:s17+$0x0]  }
0x381: {  	v18 =	vadd.f32 v18, v19;
	_ =	sdelay $0x1  }
0x382: {  	v18 =	vadd.f32 v20, v18  }
.Ltmp8:
0x383: {  	(pc) =	sbr.rel @p0 .LBB2_18-.Ltmp8, $4  }
0x384: {  	v18 =	vadd.f32 v21, v18  }
0x385: {  	s19 =	sadd.s32 $0x10, s19  }
0x386: {  	s23 =	sadd.s32 $0x10, s23;
	[tilespmem:s19+$0x0] =	vst v18  }
0x387: {  	s28 =	sadd.s32 $0x100, s28;
	v18 =	vld [tilespmem:s23+$0x0]  }
0x388: {  	_ =	sdelay $0x3  }
0x389: {  	v18 =	vshll.u32 v18, $0xB  }
0x38a: {  	v18 =	vadd.s32 s21, v18  }
0x38b: {  	v19 =	vor.u32 v0, v18;
	v20 =	vor.u32 v3, v18  }
0x38c: {  	v19 =	vand.u32 v2, v19;
	_ =	sdelay $0x1  }
0x38d: {  	v21 =	vor.u32 v4, v18;
	_ =	sdelay $0x1  }
0x38e: {  	v22 =	vor.u32 v5, v18;
	v20 =	vld.idx.msk [tilespmem:v20+s26+$0x0], $0xffff  }
0x38f: {  	v19 =	vld.idx.msk [tilespmem:v19+s26+$0x0], $0xffff  }
0x390: {  	v23 =	vor.u32 v6, v18  }
0x391: {  	v21 =	vld.idx.msk [tilespmem:v21+s26+$0x0], $0xffff  }
0x392: {  	v24 =	vor.u32 v7, v18  }
0x393: {  	v22 =	vld.idx.msk [tilespmem:v22+s26+$0x0], $0xffff  }
0x394: {  	v25 =	vor.u32 v8, v18;
	v19 =	vadd.f32 v20, v19  }
0x395: {  	v43 =	vld.idx.msk [tilespmem:v23+s26+$0x0], $0xffff  }
0x396: {  	v44 =	vor.u32 v9, v18;
	v19 =	vadd.f32 v21, v19  }
0x397: {  	v45 =	vld.idx.msk [tilespmem:v24+s26+$0x0], $0xffff  }
0x398: {  	v46 =	vor.u32 v10, v18;
	v19 =	vadd.f32 v22, v19  }
0x399: {  	v47 =	vld.idx.msk [tilespmem:v25+s26+$0x0], $0xffff  }
0x39a: {  	v48 =	vor.u32 v11, v18;
	v19 =	vadd.f32 v43, v19  }
0x39b: {  	v49 =	vld.idx.msk [tilespmem:v44+s26+$0x0], $0xffff  }
0x39c: {  	v50 =	vor.u32 v12, v18;
	v19 =	vadd.f32 v45, v19  }
0x39d: {  	v51 =	vld.idx.msk [tilespmem:v46+s26+$0x0], $0xffff  }
0x39e: {  	v52 =	vor.u32 v13, v18;
	v19 =	vadd.f32 v47, v19  }
0x39f: {  	v53 =	vld.idx.msk [tilespmem:v48+s26+$0x0], $0xffff  }
0x3a0: {  	v54 =	vor.u32 v14, v18;
	v19 =	vadd.f32 v49, v19  }
0x3a1: {  	v55 =	vld.idx.msk [tilespmem:v50+s26+$0x0], $0xffff  }
0x3a2: {  	v56 =	vor.u32 v15, v18;
	v19 =	vadd.f32 v51, v19  }
0x3a3: {  	v57 =	vld.idx.msk [tilespmem:v52+s26+$0x0], $0xffff  }
0x3a4: {  	v58 =	vor.u32 v16, v18;
	v19 =	vadd.f32 v53, v19  }
0x3a5: {  	v59 =	vld.idx.msk [tilespmem:v54+s26+$0x0], $0xffff  }
0x3a6: {  	v18 =	vor.u32 v17, v18;
	v19 =	vadd.f32 v55, v19  }
0x3a7: {  	v60 =	vld.idx.msk [tilespmem:v56+s26+$0x0], $0xffff  }
0x3a8: {  	v19 =	vadd.f32 v57, v19  }
0x3a9: {  	v61 =	vld.idx.msk [tilespmem:v58+s26+$0x0], $0xffff  }
0x3aa: {  	v19 =	vadd.f32 v59, v19  }
0x3ab: {  	v18 =	vld.idx.msk [tilespmem:v18+s26+$0x0], $0xffff  }
0x3ac: {  	s0 =	sadd.s32 $0x10, s14;
	v19 =	vadd.f32 v60, v19  }
0x3ad: {  	v62 =	vld [tilespmem:s0+$0x0]  }
0x3ae: {  	s28 =	sadd.s32 $0x10, s17;
	v19 =	vadd.f32 v61, v19  }
0x3af: {  	v63 =	vld [tilespmem:s28+$0x0]  }
0x3b0: {  	v18 =	vadd.f32 v18, v19;
	_ =	sdelay $0x1  }
0x3b1: {  	v18 =	vadd.f32 v62, v18;
	_ =	sdelay $0x1  }
0x3b2: {  	s13 =	sadd.s32 $0x1, s13;
	v18 =	vadd.f32 v63, v18  }
0x3b3: {  	s29 =	sadd.s32 $0x10, s19;
	p0 =	sne.s32 s13, s10  }
.Ltmp9:
0x3b4: {  	s31 =	simm.s32 $0x12E00;
	[tilespmem:s29+$0x0] =	vst v18;
	(pc) =	sbr.rel @p0 .LBB2_1-.Ltmp9, $4  }
0x3b5: {  	[hbm4b:s9+s2] =	stream.linear.scatter [tilespmem:s31], [sflag:$0x4], $0x200, $0x38;
	[tilespmem:$0x13000] =	vst v63  }
0x3b6: {  	_ =	swait.ge [sflag:s11], $0x200  }
0x3b7: {  	[sflag:s11] =	ssyncset.done $0x0  }
0x3b8: {  	[sflag:s11] =	ssyncadd.s32 $0xFFFFFE00  }
0x3b9: {  	_ =	sfence.sel $0x180000  }
0x3ba: {  	[bflag:$0x0] =	sbarrier.arrive $0xFFFF  }
0x3bb: {  	_ =	strace $0x90000047  }
0x3bc: {  	s0 =	stileid.u32;
	[bflag:$0x2] =	sbarrier.arrive $0xFFFF  }
0x3bd: {  	p0 =	sne.s32 s0, $0x0;
	s0 =	rddreg [dreg:$0x4]  }
0x3be: {  	s0 =	sadd.s32 @!p0 $0x100000, s0  }
0x3bf: {  	[sflag:s0] =	ssyncadd.tile.s32 @!p0 $0x1;
	_ =	shalt  }
.Lfunc_end2:
_tile_overlayer_lowered:
.L_overlay_start_2:
0x3c0: {  	(tag) =	ssettag $0x2  }
0x3c1: {  	s0 =	rddreg [dreg:$0x0];
	s2 =	stileid.u32  }
0x3c2: {  	s1 =	rddreg [dreg:$0x1];
	p0 =	sne.s32 s2, $0x0  }
0x3c3: {  	s3 =	rddreg [dreg:$0x2];
	[bflag:$0x3] =	sbarrier.arrive $0xFFFF;
	s2 =	simm.s32 @!p0 $0x1C04  }
0x3c4: {  	[timem:s3], [sflag:s2] =	dma.local @!p0 [hbm:s0], s1  }
0x3c5: {  	s0 =	simm.s32 @!p0 $0x4  }
0x3c6: {  	_ =	swait.ge @!p0 [sflag:s0], s1  }
0x3c7: {  	s1 =	ssub.s32 @!p0 $0x0, s1;
	[sflag:s0] =	ssyncset.done @!p0 $0x0  }
0x3c8: {  	[sflag:s0] =	ssyncadd.s32 @!p0 s1  }
0x3c9: {  	[bflag:$0x3] =	sbarrier.arrive $0xFFFF  }
0x3ca: {  	_ =	shalt  }

</sc_bundles>
